<compile_context>
chip_gen: v7x
topology: tpu7x:2x2x1
jax: 0.10.2.dev20260603
libtpu: 0.0.44.dev20260713+nightly
codegen_flags: <defaults>
</compile_context>

<pallas_src>
import functools

import jax
import jax.numpy as jnp
from jax import lax
from jax.experimental import pallas as pl
from jax.experimental.pallas import tpu as pltpu
from jax.experimental.pallas import tpu_sc as plsc

N_NODES = 10000
N_PAD = 10240
D = 128
E_PAD = 32 * 80 * 128
NW = 32
EDGES_PER_TILE = E_PAD // NW
CHUNKS = 160
CHUNK = 64
ROWS_PER_TILE = N_PAD // 16

_mesh = plsc.VectorSubcoreMesh(core_axis_name="c", subcore_axis_name="s")


def _deg_body(dst_hbm, deg_hbm, part_hbm, dstv, histv, rbuf, sbuf):
    c = lax.axis_index("c")
    s = lax.axis_index("s")
    w = c * 16 + s
    pltpu.sync_copy(dst_hbm.at[pl.ds(w * EDGES_PER_TILE, EDGES_PER_TILE)], dstv)
    zeros = jnp.zeros((16,), jnp.float32)
    ones = jnp.full((16,), 1.0, jnp.float32)

    def zbody(i, carry):
        histv[pl.ds(i * 16, 16)] = zeros
        return carry

    lax.fori_loop(0, N_PAD // 16, zbody, 0)

    def body(i, carry):
        idx = dstv[pl.ds(i * 16, 16)]
        plsc.addupdate_scatter(histv, [idx], ones)
        return carry

    lax.fori_loop(0, EDGES_PER_TILE // 16, body, 0)
    pltpu.sync_copy(histv, part_hbm.at[c, s])
    plsc.subcore_barrier()
    pltpu.sync_copy(part_hbm.at[c, :, pl.ds(s * 640, 640)], rbuf)

    def rbody(i, carry):
        sl = pl.ds(i * 16, 16)
        v = rbuf[0, sl]
        for t in range(1, 16):
            v = v + rbuf[t, sl]
        sbuf[sl] = v
        return carry

    lax.fori_loop(0, 640 // 16, rbody, 0)
    pltpu.sync_copy(sbuf, deg_hbm.at[c, pl.ds(s * 640, 640)])


_deg_call = functools.partial(
    pl.kernel,
    out_type=(
        jax.ShapeDtypeStruct((2, N_PAD), jnp.float32),
        jax.ShapeDtypeStruct((2, 16, N_PAD), jnp.float32),
    ),
    mesh=_mesh,
    compiler_params=pltpu.CompilerParams(needs_layout_passes=False),
    scratch_types=[
        pltpu.VMEM((EDGES_PER_TILE,), jnp.int32),
        pltpu.VMEM((N_PAD,), jnp.float32),
        pltpu.VMEM((16, 640), jnp.float32),
        pltpu.VMEM((640,), jnp.float32),
    ],
)(_deg_body)


def _mm_body(x_ref, w_ref, deg_ref, h2_ref):
    deg = deg_ref[0] + deg_ref[1] + 1.0
    dis = lax.rsqrt(deg)[:, None]
    h = jnp.dot(x_ref[...], w_ref[...], preferred_element_type=jnp.float32)
    h2_ref[...] = h * dis


def _mm_call(x_p, W, deg2):
    return pl.pallas_call(
        _mm_body,
        grid=(N_PAD // 1024,),
        in_specs=[
            pl.BlockSpec((1024, D), lambda i: (i, 0)),
            pl.BlockSpec((D, D), lambda i: (0, 0)),
            pl.BlockSpec((2, 1024), lambda i: (0, i)),
        ],
        out_specs=pl.BlockSpec((1024, D), lambda i: (i, 0)),
        out_shape=jax.ShapeDtypeStruct((N_PAD, D), jnp.float32),
    )(x_p, W, deg2)


CH_F = 290
CH_S = (E_PAD // CHUNK) // 16 - CH_F


def _agg_body(h2_hbm, edge_hbm, part_hbm, idxv, gbuf, acc, isem, gsem):
    c = lax.axis_index("c")
    s = lax.axis_index("s")
    nch = jnp.where(c == 0, CH_F, CH_S)
    base = jnp.where(c == 0, s * CH_F, 16 * CH_F + s * CH_S)
    pltpu.sync_copy(h2_hbm.at[pl.ds(s * ROWS_PER_TILE, ROWS_PER_TILE)],
                    acc.at[pl.ds(s * ROWS_PER_TILE, ROWS_PER_TILE)])
    plsc.subcore_barrier()

    for p in range(12):
        pltpu.async_copy(edge_hbm.at[base + p], idxv.at[p], isem)
    for p in range(4):
        pltpu.make_async_copy(edge_hbm.at[base + p], idxv.at[p], isem).wait()
        pltpu.async_copy(h2_hbm.at[idxv.at[p, 0]], gbuf.at[p], gsem)

    def body(j, carry):
        b = lax.rem(j, 4)
        sl = lax.rem(j, 16)
        pltpu.make_async_copy(h2_hbm.at[idxv.at[sl, 0]], gbuf.at[b], gsem).wait()
        pltpu.sync_copy(gbuf.at[b], acc.at[idxv.at[sl, 1]], add=True)

        @pl.when(j + 4 < nch)
        def _():
            sl4 = lax.rem(j + 4, 16)
            pltpu.make_async_copy(edge_hbm.at[base + j + 4], idxv.at[sl4], isem).wait()
            pltpu.async_copy(h2_hbm.at[idxv.at[sl4, 0]], gbuf.at[b], gsem)

        @pl.when(j + 12 < nch)
        def _():
            sl12 = lax.rem(j + 12, 16)
            pltpu.async_copy(edge_hbm.at[base + j + 12], idxv.at[sl12], isem)

        return carry

    lax.fori_loop(0, nch, body, 0)
    plsc.subcore_barrier()
    pltpu.sync_copy(acc.at[pl.ds(s * ROWS_PER_TILE, ROWS_PER_TILE)],
                    part_hbm.at[c, pl.ds(s * ROWS_PER_TILE, ROWS_PER_TILE)])


_agg_call = functools.partial(
    pl.kernel,
    out_type=jax.ShapeDtypeStruct((2, N_PAD, D), jnp.float32),
    mesh=_mesh,
    scratch_types=[
        pltpu.VMEM((16, 2, CHUNK), jnp.int32),
        pltpu.VMEM((4, CHUNK, D), jnp.float32),
        pltpu.VMEM_SHARED((N_PAD, D), jnp.float32),
        pltpu.SemaphoreType.DMA,
        pltpu.SemaphoreType.DMA,
    ],
)(_agg_body)


def _fin_body(part_ref, h2_ref, deg_ref, b_ref, out_ref):
    deg = deg_ref[0] + deg_ref[1] + 1.0
    dis = lax.rsqrt(deg)[:, None]
    agg = part_ref[0] + part_ref[1] - h2_ref[...]
    out_ref[...] = agg * dis + b_ref[...]


def _fin_call(part, h2, deg2, b2):
    return pl.pallas_call(
        _fin_body,
        grid=(N_PAD // 1024,),
        in_specs=[
            pl.BlockSpec((2, 1024, D), lambda i: (0, i, 0)),
            pl.BlockSpec((1024, D), lambda i: (i, 0)),
            pl.BlockSpec((2, 1024), lambda i: (0, i)),
            pl.BlockSpec((1, D), lambda i: (0, 0)),
        ],
        out_specs=pl.BlockSpec((1024, D), lambda i: (i, 0)),
        out_shape=jax.ShapeDtypeStruct((N_NODES, D), jnp.float32),
    )(part, h2, deg2, b2)


def kernel(x, edge_index, W, b):
    src = edge_index[0].astype(jnp.int32)
    dst = edge_index[1].astype(jnp.int32)
    pad = E_PAD - src.shape[0]
    src_p = jnp.concatenate([src, jnp.zeros((pad,), jnp.int32)])
    dst_p = jnp.concatenate([dst, jnp.full((pad,), N_NODES, jnp.int32)])
    edge3 = jnp.stack(
        [src_p.reshape(E_PAD // CHUNK, CHUNK), dst_p.reshape(E_PAD // CHUNK, CHUNK)],
        axis=1)
    x_p = jnp.concatenate([x, jnp.zeros((N_PAD - N_NODES, D), x.dtype)])

    deg2, _ = _deg_call(dst_p)
    h2 = _mm_call(x_p, W, deg2)
    part = _agg_call(h2, edge3)
    return _fin_call(part, h2, deg2, b.reshape(1, D))

# --- scband reference (transcript-rebuilt; emitter-appended) ---
"""Pipeline reference for scband-one-layer-gcnencoder-47820165874092 (READ-ONLY COPY).

The authoritative reference and input builder live on the scoring server;
editing this copy changes nothing except your own understanding.
"""

import jax, jax.numpy as jnp
import numpy as np

N_NODES = 10000
N_EDGES = 320000
D_IN = 128
D_OUT = 128


def setup_inputs(seed: int = 0) -> dict:
    key = jax.random.key(seed)
    k1, k2, k3, k4 = jax.random.split(key, 4)
    x = jax.random.normal(k1, (N_NODES, D_IN), dtype=jnp.float32)
    edge_index = jax.random.randint(k2, (2, N_EDGES), 0, N_NODES, dtype=jnp.int64)
    # GCNConv learned parameters (glorot-style init for weight, zeros for bias)
    scale = (6.0 / (D_IN + D_OUT)) ** 0.5
    W = jax.random.uniform(k3, (D_IN, D_OUT), dtype=jnp.float32, minval=-scale, maxval=scale)
    b = jnp.zeros((D_OUT,), dtype=jnp.float32)
    return {"x": x, "edge_index": edge_index, "W": W, "b": b}


def reference(x, edge_index, W, b):
    # Faithful GCNConv (PyG semantics): add self-loops, symmetric normalization,
    # linear transform, scatter-add aggregation from src -> dst, then bias.
    N = x.shape[0]
    src = edge_index[0]
    dst = edge_index[1]
    loop = jnp.arange(N, dtype=src.dtype)
    src = jnp.concatenate([src, loop])
    dst = jnp.concatenate([dst, loop])
    # linear transform
    h = x @ W
    # degree computed on destination (col) index with unit edge weights
    deg = jax.ops.segment_sum(jnp.ones(dst.shape[0], dtype=h.dtype), dst, num_segments=N)
    deg_inv_sqrt = jnp.where(deg > 0, deg ** -0.5, 0.0)
    norm = deg_inv_sqrt[src] * deg_inv_sqrt[dst]
    # gather messages, scale, scatter-add to destination nodes
    msgs = h[src] * norm[:, None]
    out = jax.ops.segment_sum(msgs, dst, num_segments=N)
    return out + b

if __name__ == "__main__":
    import jax
    _d = setup_inputs()
    print(jax.jit(kernel)(*tuple(_d.values())))

</pallas_src>

<mosaic_0001>
#map = affine_map<(d0, d1) -> (0, 0)>
#map1 = affine_map<(d0, d1) -> (0, 0, 0)>
module attributes {stable_mosaic.version = 14 : i64} {
  func.func @_agg_body(%arg0: i32, %arg1: i32, %arg2: memref<10240x128xf32, #tpu.memory_space<hbm>>, %arg3: memref<5120x2x64xi32, #tpu.memory_space<hbm>>, %arg4: memref<2x10240x128xf32, #tpu.memory_space<hbm>>, %arg5: memref<16x2x64xi32, #tpu.memory_space<vmem>>, %arg6: memref<4x64x128xf32, #tpu.memory_space<vmem>>, %arg7: memref<10240x128xf32, #tpu.memory_space<vmem_shared>>, %arg8: memref<!tpu.dma_semaphore, #tpu.memory_space<semaphore_mem>>, %arg9: memref<!tpu.dma_semaphore, #tpu.memory_space<semaphore_mem>>) attributes {dimension_semantics = [#tpu.dimension_semantics<core_parallel>, #tpu.dimension_semantics<subcore_parallel>], iteration_bounds = array<i64: 2, 16>, scalar_prefetch = 0 : i64, scratch_operands = 5 : i64, tpu.core_type = #tpu.core_type<sc_vector_subcore>, window_params = [{transform_indices = #map}, {transform_indices = #map1}, {transform_indices = #map1}]} {
    %eq3A = arith.constant 0 : i32
    %eq3A_0 = arith.cmpi eq, %arg0, %eq3A : i32
    %jit3A = arith.constant 290 : i32
    %jit3A_1 = arith.constant 30 : i32
    %select_n3A = arith.select %eq3A_0, %jit3A, %jit3A_1 : i32
    %eq3A_2 = arith.constant 0 : i32
    %eq3A_3 = arith.cmpi eq, %arg0, %eq3A_2 : i32
    %mul3A = arith.constant 290 : i32
    %mul3A_4 = arith.muli %arg1, %mul3A : i32
    %mul3A_5 = arith.constant 30 : i32
    %mul3A_6 = arith.muli %arg1, %mul3A_5 : i32
    %add3A = arith.constant 4640 : i32
    %add3A_7 = arith.addi %add3A, %mul3A_6 : i32
    %select_n3A_8 = arith.select %eq3A_3, %mul3A_4, %add3A_7 : i32
    %mul3A_9 = arith.constant 640 : i32
    %mul3A_10 = arith.muli %arg1, %mul3A_9 : i32
    %mul3A_11 = arith.constant 640 : i32
    %mul3A_12 = arith.muli %arg1, %mul3A_11 : i32
    "tpu.region"() ({
      %run_scoped3A = tpu.sem_alloc : memref<!tpu.dma_semaphore, #tpu.memory_space<semaphore_mem>>
      %dma_start3A_381 = arith.constant 0 : i32
      %dma_start3A_382 = tpu.memref_slice %arg7[%mul3A_12, %dma_start3A_381] : memref<10240x128xf32, #tpu.memory_space<vmem_shared>> -> memref<640x128xf32, #tpu.memory_space<vmem_shared>>
      %dma_start3A_383 = arith.constant 0 : i32
      %dma_start3A_384 = tpu.memref_slice %arg2[%mul3A_10, %dma_start3A_383] : memref<10240x128xf32, #tpu.memory_space<hbm>> -> memref<640x128xf32, #tpu.memory_space<hbm>>
      tpu.enqueue_dma source(%dma_start3A_384 : memref<640x128xf32, #tpu.memory_space<hbm>>) target(%dma_start3A_382 : memref<640x128xf32, #tpu.memory_space<vmem_shared>>) target_semaphore(%run_scoped3A : memref<!tpu.dma_semaphore, #tpu.memory_space<semaphore_mem>>)
      %dma_wait3A_385 = arith.constant 0 : i32
      %dma_wait3A_386 = tpu.memref_slice %arg7[%mul3A_12, %dma_wait3A_385] : memref<10240x128xf32, #tpu.memory_space<vmem_shared>> -> memref<640x128xf32, #tpu.memory_space<vmem_shared>>
      %dma_wait3A_387 = arith.constant 0 : i32
      %dma_wait3A_388 = tpu.memref_slice %arg2[%mul3A_10, %dma_wait3A_387] : memref<10240x128xf32, #tpu.memory_space<hbm>> -> memref<640x128xf32, #tpu.memory_space<hbm>>
      tpu.wait_dma2 semaphore(%run_scoped3A : memref<!tpu.dma_semaphore, #tpu.memory_space<semaphore_mem>>) src(%dma_wait3A_388 : memref<640x128xf32, #tpu.memory_space<hbm>>) dst(%dma_wait3A_386 : memref<640x128xf32, #tpu.memory_space<vmem_shared>>)
      tpu.yield
    }) : () -> ()
    %barrier3A = arith.constant 0 : index
    tpu.barrier barrier_id(%barrier3A)
    %add3A_13 = arith.constant 0 : i32
    %add3A_14 = arith.addi %select_n3A_8, %add3A_13 : i32
    %dma_start3A = arith.constant 0 : i32
    %dma_start3A_15 = arith.constant 0 : i32
    %dma_start3A_16 = arith.constant 0 : i32
    %dma_start3A_17 = tpu.memref_slice %arg5[%dma_start3A, %dma_start3A_15, %dma_start3A_16] : memref<16x2x64xi32, #tpu.memory_space<vmem>> -> memref<1x2x64xi32, #tpu.memory_space<vmem>>
    %dma_start3A_18 = tpu.memref_squeeze %dma_start3A_17 : memref<1x2x64xi32, #tpu.memory_space<vmem>> -> memref<2x64xi32, #tpu.memory_space<vmem>>
    %dma_start3A_19 = arith.constant 0 : i32
    %dma_start3A_20 = arith.constant 0 : i32
    %dma_start3A_21 = tpu.memref_slice %arg3[%add3A_14, %dma_start3A_19, %dma_start3A_20] : memref<5120x2x64xi32, #tpu.memory_space<hbm>> -> memref<1x2x64xi32, #tpu.memory_space<hbm>>
    %dma_start3A_22 = tpu.memref_squeeze %dma_start3A_21 : memref<1x2x64xi32, #tpu.memory_space<hbm>> -> memref<2x64xi32, #tpu.memory_space<hbm>>
    %dma_start3A_23 = arith.constant 0 : i32
    %dma_start3A_24 = arith.constant 0 : i32
    %dma_start3A_25 = tpu.memref_slice %arg5[%dma_start3A, %dma_start3A_23, %dma_start3A_24] : memref<16x2x64xi32, #tpu.memory_space<vmem>> -> memref<1x2x64xi32, #tpu.memory_space<vmem>>
    %dma_start3A_26 = tpu.memref_squeeze %dma_start3A_25 : memref<1x2x64xi32, #tpu.memory_space<vmem>> -> memref<2x64xi32, #tpu.memory_space<vmem>>
    %dma_start3A_27 = arith.constant 0 : i32
    %dma_start3A_28 = arith.constant 0 : i32
    %dma_start3A_29 = tpu.memref_slice %arg3[%add3A_14, %dma_start3A_27, %dma_start3A_28] : memref<5120x2x64xi32, #tpu.memory_space<hbm>> -> memref<1x2x64xi32, #tpu.memory_space<hbm>>
    %dma_start3A_30 = tpu.memref_squeeze %dma_start3A_29 : memref<1x2x64xi32, #tpu.memory_space<hbm>> -> memref<2x64xi32, #tpu.memory_space<hbm>>
    tpu.enqueue_dma source(%dma_start3A_30 : memref<2x64xi32, #tpu.memory_space<hbm>>) target(%dma_start3A_26 : memref<2x64xi32, #tpu.memory_space<vmem>>) target_semaphore(%arg8 : memref<!tpu.dma_semaphore, #tpu.memory_space<semaphore_mem>>)
    %add3A_31 = arith.constant 1 : i32
    %add3A_32 = arith.addi %select_n3A_8, %add3A_31 : i32
    %dma_start3A_33 = arith.constant 1 : i32
    %dma_start3A_34 = arith.constant 0 : i32
    %dma_start3A_35 = arith.constant 0 : i32
    %dma_start3A_36 = tpu.memref_slice %arg5[%dma_start3A_33, %dma_start3A_34, %dma_start3A_35] : memref<16x2x64xi32, #tpu.memory_space<vmem>> -> memref<1x2x64xi32, #tpu.memory_space<vmem>>
    %dma_start3A_37 = tpu.memref_squeeze %dma_start3A_36 : memref<1x2x64xi32, #tpu.memory_space<vmem>> -> memref<2x64xi32, #tpu.memory_space<vmem>>
    %dma_start3A_38 = arith.constant 0 : i32
    %dma_start3A_39 = arith.constant 0 : i32
    %dma_start3A_40 = tpu.memref_slice %arg3[%add3A_32, %dma_start3A_38, %dma_start3A_39] : memref<5120x2x64xi32, #tpu.memory_space<hbm>> -> memref<1x2x64xi32, #tpu.memory_space<hbm>>
    %dma_start3A_41 = tpu.memref_squeeze %dma_start3A_40 : memref<1x2x64xi32, #tpu.memory_space<hbm>> -> memref<2x64xi32, #tpu.memory_space<hbm>>
    %dma_start3A_42 = arith.constant 0 : i32
    %dma_start3A_43 = arith.constant 0 : i32
    %dma_start3A_44 = tpu.memref_slice %arg5[%dma_start3A_33, %dma_start3A_42, %dma_start3A_43] : memref<16x2x64xi32, #tpu.memory_space<vmem>> -> memref<1x2x64xi32, #tpu.memory_space<vmem>>
    %dma_start3A_45 = tpu.memref_squeeze %dma_start3A_44 : memref<1x2x64xi32, #tpu.memory_space<vmem>> -> memref<2x64xi32, #tpu.memory_space<vmem>>
    %dma_start3A_46 = arith.constant 0 : i32
    %dma_start3A_47 = arith.constant 0 : i32
    %dma_start3A_48 = tpu.memref_slice %arg3[%add3A_32, %dma_start3A_46, %dma_start3A_47] : memref<5120x2x64xi32, #tpu.memory_space<hbm>> -> memref<1x2x64xi32, #tpu.memory_space<hbm>>
    %dma_start3A_49 = tpu.memref_squeeze %dma_start3A_48 : memref<1x2x64xi32, #tpu.memory_space<hbm>> -> memref<2x64xi32, #tpu.memory_space<hbm>>
    tpu.enqueue_dma source(%dma_start3A_49 : memref<2x64xi32, #tpu.memory_space<hbm>>) target(%dma_start3A_45 : memref<2x64xi32, #tpu.memory_space<vmem>>) target_semaphore(%arg8 : memref<!tpu.dma_semaphore, #tpu.memory_space<semaphore_mem>>)
    %add3A_50 = arith.constant 2 : i32
    %add3A_51 = arith.addi %select_n3A_8, %add3A_50 : i32
    %dma_start3A_52 = arith.constant 2 : i32
    %dma_start3A_53 = arith.constant 0 : i32
    %dma_start3A_54 = arith.constant 0 : i32
    %dma_start3A_55 = tpu.memref_slice %arg5[%dma_start3A_52, %dma_start3A_53, %dma_start3A_54] : memref<16x2x64xi32, #tpu.memory_space<vmem>> -> memref<1x2x64xi32, #tpu.memory_space<vmem>>
    %dma_start3A_56 = tpu.memref_squeeze %dma_start3A_55 : memref<1x2x64xi32, #tpu.memory_space<vmem>> -> memref<2x64xi32, #tpu.memory_space<vmem>>
    %dma_start3A_57 = arith.constant 0 : i32
    %dma_start3A_58 = arith.constant 0 : i32
    %dma_start3A_59 = tpu.memref_slice %arg3[%add3A_51, %dma_start3A_57, %dma_start3A_58] : memref<5120x2x64xi32, #tpu.memory_space<hbm>> -> memref<1x2x64xi32, #tpu.memory_space<hbm>>
    %dma_start3A_60 = tpu.memref_squeeze %dma_start3A_59 : memref<1x2x64xi32, #tpu.memory_space<hbm>> -> memref<2x64xi32, #tpu.memory_space<hbm>>
    %dma_start3A_61 = arith.constant 0 : i32
    %dma_start3A_62 = arith.constant 0 : i32
    %dma_start3A_63 = tpu.memref_slice %arg5[%dma_start3A_52, %dma_start3A_61, %dma_start3A_62] : memref<16x2x64xi32, #tpu.memory_space<vmem>> -> memref<1x2x64xi32, #tpu.memory_space<vmem>>
    %dma_start3A_64 = tpu.memref_squeeze %dma_start3A_63 : memref<1x2x64xi32, #tpu.memory_space<vmem>> -> memref<2x64xi32, #tpu.memory_space<vmem>>
    %dma_start3A_65 = arith.constant 0 : i32
    %dma_start3A_66 = arith.constant 0 : i32
    %dma_start3A_67 = tpu.memref_slice %arg3[%add3A_51, %dma_start3A_65, %dma_start3A_66] : memref<5120x2x64xi32, #tpu.memory_space<hbm>> -> memref<1x2x64xi32, #tpu.memory_space<hbm>>
    %dma_start3A_68 = tpu.memref_squeeze %dma_start3A_67 : memref<1x2x64xi32, #tpu.memory_space<hbm>> -> memref<2x64xi32, #tpu.memory_space<hbm>>
    tpu.enqueue_dma source(%dma_start3A_68 : memref<2x64xi32, #tpu.memory_space<hbm>>) target(%dma_start3A_64 : memref<2x64xi32, #tpu.memory_space<vmem>>) target_semaphore(%arg8 : memref<!tpu.dma_semaphore, #tpu.memory_space<semaphore_mem>>)
    %add3A_69 = arith.constant 3 : i32
    %add3A_70 = arith.addi %select_n3A_8, %add3A_69 : i32
    %dma_start3A_71 = arith.constant 3 : i32
    %dma_start3A_72 = arith.constant 0 : i32
    %dma_start3A_73 = arith.constant 0 : i32
    %dma_start3A_74 = tpu.memref_slice %arg5[%dma_start3A_71, %dma_start3A_72, %dma_start3A_73] : memref<16x2x64xi32, #tpu.memory_space<vmem>> -> memref<1x2x64xi32, #tpu.memory_space<vmem>>
    %dma_start3A_75 = tpu.memref_squeeze %dma_start3A_74 : memref<1x2x64xi32, #tpu.memory_space<vmem>> -> memref<2x64xi32, #tpu.memory_space<vmem>>
    %dma_start3A_76 = arith.constant 0 : i32
    %dma_start3A_77 = arith.constant 0 : i32
    %dma_start3A_78 = tpu.memref_slice %arg3[%add3A_70, %dma_start3A_76, %dma_start3A_77] : memref<5120x2x64xi32, #tpu.memory_space<hbm>> -> memref<1x2x64xi32, #tpu.memory_space<hbm>>
    %dma_start3A_79 = tpu.memref_squeeze %dma_start3A_78 : memref<1x2x64xi32, #tpu.memory_space<hbm>> -> memref<2x64xi32, #tpu.memory_space<hbm>>
    %dma_start3A_80 = arith.constant 0 : i32
    %dma_start3A_81 = arith.constant 0 : i32
    %dma_start3A_82 = tpu.memref_slice %arg5[%dma_start3A_71, %dma_start3A_80, %dma_start3A_81] : memref<16x2x64xi32, #tpu.memory_space<vmem>> -> memref<1x2x64xi32, #tpu.memory_space<vmem>>
    %dma_start3A_83 = tpu.memref_squeeze %dma_start3A_82 : memref<1x2x64xi32, #tpu.memory_space<vmem>> -> memref<2x64xi32, #tpu.memory_space<vmem>>
    %dma_start3A_84 = arith.constant 0 : i32
    %dma_start3A_85 = arith.constant 0 : i32
    %dma_start3A_86 = tpu.memref_slice %arg3[%add3A_70, %dma_start3A_84, %dma_start3A_85] : memref<5120x2x64xi32, #tpu.memory_space<hbm>> -> memref<1x2x64xi32, #tpu.memory_space<hbm>>
    %dma_start3A_87 = tpu.memref_squeeze %dma_start3A_86 : memref<1x2x64xi32, #tpu.memory_space<hbm>> -> memref<2x64xi32, #tpu.memory_space<hbm>>
    tpu.enqueue_dma source(%dma_start3A_87 : memref<2x64xi32, #tpu.memory_space<hbm>>) target(%dma_start3A_83 : memref<2x64xi32, #tpu.memory_space<vmem>>) target_semaphore(%arg8 : memref<!tpu.dma_semaphore, #tpu.memory_space<semaphore_mem>>)
    %add3A_88 = arith.constant 4 : i32
    %add3A_89 = arith.addi %select_n3A_8, %add3A_88 : i32
    %dma_start3A_90 = arith.constant 4 : i32
    %dma_start3A_91 = arith.constant 0 : i32
    %dma_start3A_92 = arith.constant 0 : i32
    %dma_start3A_93 = tpu.memref_slice %arg5[%dma_start3A_90, %dma_start3A_91, %dma_start3A_92] : memref<16x2x64xi32, #tpu.memory_space<vmem>> -> memref<1x2x64xi32, #tpu.memory_space<vmem>>
    %dma_start3A_94 = tpu.memref_squeeze %dma_start3A_93 : memref<1x2x64xi32, #tpu.memory_space<vmem>> -> memref<2x64xi32, #tpu.memory_space<vmem>>
    %dma_start3A_95 = arith.constant 0 : i32
    %dma_start3A_96 = arith.constant 0 : i32
    %dma_start3A_97 = tpu.memref_slice %arg3[%add3A_89, %dma_start3A_95, %dma_start3A_96] : memref<5120x2x64xi32, #tpu.memory_space<hbm>> -> memref<1x2x64xi32, #tpu.memory_space<hbm>>
    %dma_start3A_98 = tpu.memref_squeeze %dma_start3A_97 : memref<1x2x64xi32, #tpu.memory_space<hbm>> -> memref<2x64xi32, #tpu.memory_space<hbm>>
    %dma_start3A_99 = arith.constant 0 : i32
    %dma_start3A_100 = arith.constant 0 : i32
    %dma_start3A_101 = tpu.memref_slice %arg5[%dma_start3A_90, %dma_start3A_99, %dma_start3A_100] : memref<16x2x64xi32, #tpu.memory_space<vmem>> -> memref<1x2x64xi32, #tpu.memory_space<vmem>>
    %dma_start3A_102 = tpu.memref_squeeze %dma_start3A_101 : memref<1x2x64xi32, #tpu.memory_space<vmem>> -> memref<2x64xi32, #tpu.memory_space<vmem>>
    %dma_start3A_103 = arith.constant 0 : i32
    %dma_start3A_104 = arith.constant 0 : i32
    %dma_start3A_105 = tpu.memref_slice %arg3[%add3A_89, %dma_start3A_103, %dma_start3A_104] : memref<5120x2x64xi32, #tpu.memory_space<hbm>> -> memref<1x2x64xi32, #tpu.memory_space<hbm>>
    %dma_start3A_106 = tpu.memref_squeeze %dma_start3A_105 : memref<1x2x64xi32, #tpu.memory_space<hbm>> -> memref<2x64xi32, #tpu.memory_space<hbm>>
    tpu.enqueue_dma source(%dma_start3A_106 : memref<2x64xi32, #tpu.memory_space<hbm>>) target(%dma_start3A_102 : memref<2x64xi32, #tpu.memory_space<vmem>>) target_semaphore(%arg8 : memref<!tpu.dma_semaphore, #tpu.memory_space<semaphore_mem>>)
    %add3A_107 = arith.constant 5 : i32
    %add3A_108 = arith.addi %select_n3A_8, %add3A_107 : i32
    %dma_start3A_109 = arith.constant 5 : i32
    %dma_start3A_110 = arith.constant 0 : i32
    %dma_start3A_111 = arith.constant 0 : i32
    %dma_start3A_112 = tpu.memref_slice %arg5[%dma_start3A_109, %dma_start3A_110, %dma_start3A_111] : memref<16x2x64xi32, #tpu.memory_space<vmem>> -> memref<1x2x64xi32, #tpu.memory_space<vmem>>
    %dma_start3A_113 = tpu.memref_squeeze %dma_start3A_112 : memref<1x2x64xi32, #tpu.memory_space<vmem>> -> memref<2x64xi32, #tpu.memory_space<vmem>>
    %dma_start3A_114 = arith.constant 0 : i32
    %dma_start3A_115 = arith.constant 0 : i32
    %dma_start3A_116 = tpu.memref_slice %arg3[%add3A_108, %dma_start3A_114, %dma_start3A_115] : memref<5120x2x64xi32, #tpu.memory_space<hbm>> -> memref<1x2x64xi32, #tpu.memory_space<hbm>>
    %dma_start3A_117 = tpu.memref_squeeze %dma_start3A_116 : memref<1x2x64xi32, #tpu.memory_space<hbm>> -> memref<2x64xi32, #tpu.memory_space<hbm>>
    %dma_start3A_118 = arith.constant 0 : i32
    %dma_start3A_119 = arith.constant 0 : i32
    %dma_start3A_120 = tpu.memref_slice %arg5[%dma_start3A_109, %dma_start3A_118, %dma_start3A_119] : memref<16x2x64xi32, #tpu.memory_space<vmem>> -> memref<1x2x64xi32, #tpu.memory_space<vmem>>
    %dma_start3A_121 = tpu.memref_squeeze %dma_start3A_120 : memref<1x2x64xi32, #tpu.memory_space<vmem>> -> memref<2x64xi32, #tpu.memory_space<vmem>>
    %dma_start3A_122 = arith.constant 0 : i32
    %dma_start3A_123 = arith.constant 0 : i32
    %dma_start3A_124 = tpu.memref_slice %arg3[%add3A_108, %dma_start3A_122, %dma_start3A_123] : memref<5120x2x64xi32, #tpu.memory_space<hbm>> -> memref<1x2x64xi32, #tpu.memory_space<hbm>>
    %dma_start3A_125 = tpu.memref_squeeze %dma_start3A_124 : memref<1x2x64xi32, #tpu.memory_space<hbm>> -> memref<2x64xi32, #tpu.memory_space<hbm>>
    tpu.enqueue_dma source(%dma_start3A_125 : memref<2x64xi32, #tpu.memory_space<hbm>>) target(%dma_start3A_121 : memref<2x64xi32, #tpu.memory_space<vmem>>) target_semaphore(%arg8 : memref<!tpu.dma_semaphore, #tpu.memory_space<semaphore_mem>>)
    %add3A_126 = arith.constant 6 : i32
    %add3A_127 = arith.addi %select_n3A_8, %add3A_126 : i32
    %dma_start3A_128 = arith.constant 6 : i32
    %dma_start3A_129 = arith.constant 0 : i32
    %dma_start3A_130 = arith.constant 0 : i32
    %dma_start3A_131 = tpu.memref_slice %arg5[%dma_start3A_128, %dma_start3A_129, %dma_start3A_130] : memref<16x2x64xi32, #tpu.memory_space<vmem>> -> memref<1x2x64xi32, #tpu.memory_space<vmem>>
    %dma_start3A_132 = tpu.memref_squeeze %dma_start3A_131 : memref<1x2x64xi32, #tpu.memory_space<vmem>> -> memref<2x64xi32, #tpu.memory_space<vmem>>
    %dma_start3A_133 = arith.constant 0 : i32
    %dma_start3A_134 = arith.constant 0 : i32
    %dma_start3A_135 = tpu.memref_slice %arg3[%add3A_127, %dma_start3A_133, %dma_start3A_134] : memref<5120x2x64xi32, #tpu.memory_space<hbm>> -> memref<1x2x64xi32, #tpu.memory_space<hbm>>
    %dma_start3A_136 = tpu.memref_squeeze %dma_start3A_135 : memref<1x2x64xi32, #tpu.memory_space<hbm>> -> memref<2x64xi32, #tpu.memory_space<hbm>>
    %dma_start3A_137 = arith.constant 0 : i32
    %dma_start3A_138 = arith.constant 0 : i32
    %dma_start3A_139 = tpu.memref_slice %arg5[%dma_start3A_128, %dma_start3A_137, %dma_start3A_138] : memref<16x2x64xi32, #tpu.memory_space<vmem>> -> memref<1x2x64xi32, #tpu.memory_space<vmem>>
    %dma_start3A_140 = tpu.memref_squeeze %dma_start3A_139 : memref<1x2x64xi32, #tpu.memory_space<vmem>> -> memref<2x64xi32, #tpu.memory_space<vmem>>
    %dma_start3A_141 = arith.constant 0 : i32
    %dma_start3A_142 = arith.constant 0 : i32
    %dma_start3A_143 = tpu.memref_slice %arg3[%add3A_127, %dma_start3A_141, %dma_start3A_142] : memref<5120x2x64xi32, #tpu.memory_space<hbm>> -> memref<1x2x64xi32, #tpu.memory_space<hbm>>
    %dma_start3A_144 = tpu.memref_squeeze %dma_start3A_143 : memref<1x2x64xi32, #tpu.memory_space<hbm>> -> memref<2x64xi32, #tpu.memory_space<hbm>>
    tpu.enqueue_dma source(%dma_start3A_144 : memref<2x64xi32, #tpu.memory_space<hbm>>) target(%dma_start3A_140 : memref<2x64xi32, #tpu.memory_space<vmem>>) target_semaphore(%arg8 : memref<!tpu.dma_semaphore, #tpu.memory_space<semaphore_mem>>)
    %add3A_145 = arith.constant 7 : i32
    %add3A_146 = arith.addi %select_n3A_8, %add3A_145 : i32
    %dma_start3A_147 = arith.constant 7 : i32
    %dma_start3A_148 = arith.constant 0 : i32
    %dma_start3A_149 = arith.constant 0 : i32
    %dma_start3A_150 = tpu.memref_slice %arg5[%dma_start3A_147, %dma_start3A_148, %dma_start3A_149] : memref<16x2x64xi32, #tpu.memory_space<vmem>> -> memref<1x2x64xi32, #tpu.memory_space<vmem>>
    %dma_start3A_151 = tpu.memref_squeeze %dma_start3A_150 : memref<1x2x64xi32, #tpu.memory_space<vmem>> -> memref<2x64xi32, #tpu.memory_space<vmem>>
    %dma_start3A_152 = arith.constant 0 : i32
    %dma_start3A_153 = arith.constant 0 : i32
    %dma_start3A_154 = tpu.memref_slice %arg3[%add3A_146, %dma_start3A_152, %dma_start3A_153] : memref<5120x2x64xi32, #tpu.memory_space<hbm>> -> memref<1x2x64xi32, #tpu.memory_space<hbm>>
    %dma_start3A_155 = tpu.memref_squeeze %dma_start3A_154 : memref<1x2x64xi32, #tpu.memory_space<hbm>> -> memref<2x64xi32, #tpu.memory_space<hbm>>
    %dma_start3A_156 = arith.constant 0 : i32
    %dma_start3A_157 = arith.constant 0 : i32
    %dma_start3A_158 = tpu.memref_slice %arg5[%dma_start3A_147, %dma_start3A_156, %dma_start3A_157] : memref<16x2x64xi32, #tpu.memory_space<vmem>> -> memref<1x2x64xi32, #tpu.memory_space<vmem>>
    %dma_start3A_159 = tpu.memref_squeeze %dma_start3A_158 : memref<1x2x64xi32, #tpu.memory_space<vmem>> -> memref<2x64xi32, #tpu.memory_space<vmem>>
    %dma_start3A_160 = arith.constant 0 : i32
    %dma_start3A_161 = arith.constant 0 : i32
    %dma_start3A_162 = tpu.memref_slice %arg3[%add3A_146, %dma_start3A_160, %dma_start3A_161] : memref<5120x2x64xi32, #tpu.memory_space<hbm>> -> memref<1x2x64xi32, #tpu.memory_space<hbm>>
    %dma_start3A_163 = tpu.memref_squeeze %dma_start3A_162 : memref<1x2x64xi32, #tpu.memory_space<hbm>> -> memref<2x64xi32, #tpu.memory_space<hbm>>
    tpu.enqueue_dma source(%dma_start3A_163 : memref<2x64xi32, #tpu.memory_space<hbm>>) target(%dma_start3A_159 : memref<2x64xi32, #tpu.memory_space<vmem>>) target_semaphore(%arg8 : memref<!tpu.dma_semaphore, #tpu.memory_space<semaphore_mem>>)
    %add3A_164 = arith.constant 8 : i32
    %add3A_165 = arith.addi %select_n3A_8, %add3A_164 : i32
    %dma_start3A_166 = arith.constant 8 : i32
    %dma_start3A_167 = arith.constant 0 : i32
    %dma_start3A_168 = arith.constant 0 : i32
    %dma_start3A_169 = tpu.memref_slice %arg5[%dma_start3A_166, %dma_start3A_167, %dma_start3A_168] : memref<16x2x64xi32, #tpu.memory_space<vmem>> -> memref<1x2x64xi32, #tpu.memory_space<vmem>>
    %dma_start3A_170 = tpu.memref_squeeze %dma_start3A_169 : memref<1x2x64xi32, #tpu.memory_space<vmem>> -> memref<2x64xi32, #tpu.memory_space<vmem>>
    %dma_start3A_171 = arith.constant 0 : i32
    %dma_start3A_172 = arith.constant 0 : i32
    %dma_start3A_173 = tpu.memref_slice %arg3[%add3A_165, %dma_start3A_171, %dma_start3A_172] : memref<5120x2x64xi32, #tpu.memory_space<hbm>> -> memref<1x2x64xi32, #tpu.memory_space<hbm>>
    %dma_start3A_174 = tpu.memref_squeeze %dma_start3A_173 : memref<1x2x64xi32, #tpu.memory_space<hbm>> -> memref<2x64xi32, #tpu.memory_space<hbm>>
    %dma_start3A_175 = arith.constant 0 : i32
    %dma_start3A_176 = arith.constant 0 : i32
    %dma_start3A_177 = tpu.memref_slice %arg5[%dma_start3A_166, %dma_start3A_175, %dma_start3A_176] : memref<16x2x64xi32, #tpu.memory_space<vmem>> -> memref<1x2x64xi32, #tpu.memory_space<vmem>>
    %dma_start3A_178 = tpu.memref_squeeze %dma_start3A_177 : memref<1x2x64xi32, #tpu.memory_space<vmem>> -> memref<2x64xi32, #tpu.memory_space<vmem>>
    %dma_start3A_179 = arith.constant 0 : i32
    %dma_start3A_180 = arith.constant 0 : i32
    %dma_start3A_181 = tpu.memref_slice %arg3[%add3A_165, %dma_start3A_179, %dma_start3A_180] : memref<5120x2x64xi32, #tpu.memory_space<hbm>> -> memref<1x2x64xi32, #tpu.memory_space<hbm>>
    %dma_start3A_182 = tpu.memref_squeeze %dma_start3A_181 : memref<1x2x64xi32, #tpu.memory_space<hbm>> -> memref<2x64xi32, #tpu.memory_space<hbm>>
    tpu.enqueue_dma source(%dma_start3A_182 : memref<2x64xi32, #tpu.memory_space<hbm>>) target(%dma_start3A_178 : memref<2x64xi32, #tpu.memory_space<vmem>>) target_semaphore(%arg8 : memref<!tpu.dma_semaphore, #tpu.memory_space<semaphore_mem>>)
    %add3A_183 = arith.constant 9 : i32
    %add3A_184 = arith.addi %select_n3A_8, %add3A_183 : i32
    %dma_start3A_185 = arith.constant 9 : i32
    %dma_start3A_186 = arith.constant 0 : i32
    %dma_start3A_187 = arith.constant 0 : i32
    %dma_start3A_188 = tpu.memref_slice %arg5[%dma_start3A_185, %dma_start3A_186, %dma_start3A_187] : memref<16x2x64xi32, #tpu.memory_space<vmem>> -> memref<1x2x64xi32, #tpu.memory_space<vmem>>
    %dma_start3A_189 = tpu.memref_squeeze %dma_start3A_188 : memref<1x2x64xi32, #tpu.memory_space<vmem>> -> memref<2x64xi32, #tpu.memory_space<vmem>>
    %dma_start3A_190 = arith.constant 0 : i32
    %dma_start3A_191 = arith.constant 0 : i32
    %dma_start3A_192 = tpu.memref_slice %arg3[%add3A_184, %dma_start3A_190, %dma_start3A_191] : memref<5120x2x64xi32, #tpu.memory_space<hbm>> -> memref<1x2x64xi32, #tpu.memory_space<hbm>>
    %dma_start3A_193 = tpu.memref_squeeze %dma_start3A_192 : memref<1x2x64xi32, #tpu.memory_space<hbm>> -> memref<2x64xi32, #tpu.memory_space<hbm>>
    %dma_start3A_194 = arith.constant 0 : i32
    %dma_start3A_195 = arith.constant 0 : i32
    %dma_start3A_196 = tpu.memref_slice %arg5[%dma_start3A_185, %dma_start3A_194, %dma_start3A_195] : memref<16x2x64xi32, #tpu.memory_space<vmem>> -> memref<1x2x64xi32, #tpu.memory_space<vmem>>
    %dma_start3A_197 = tpu.memref_squeeze %dma_start3A_196 : memref<1x2x64xi32, #tpu.memory_space<vmem>> -> memref<2x64xi32, #tpu.memory_space<vmem>>
    %dma_start3A_198 = arith.constant 0 : i32
    %dma_start3A_199 = arith.constant 0 : i32
    %dma_start3A_200 = tpu.memref_slice %arg3[%add3A_184, %dma_start3A_198, %dma_start3A_199] : memref<5120x2x64xi32, #tpu.memory_space<hbm>> -> memref<1x2x64xi32, #tpu.memory_space<hbm>>
    %dma_start3A_201 = tpu.memref_squeeze %dma_start3A_200 : memref<1x2x64xi32, #tpu.memory_space<hbm>> -> memref<2x64xi32, #tpu.memory_space<hbm>>
    tpu.enqueue_dma source(%dma_start3A_201 : memref<2x64xi32, #tpu.memory_space<hbm>>) target(%dma_start3A_197 : memref<2x64xi32, #tpu.memory_space<vmem>>) target_semaphore(%arg8 : memref<!tpu.dma_semaphore, #tpu.memory_space<semaphore_mem>>)
    %add3A_202 = arith.constant 10 : i32
    %add3A_203 = arith.addi %select_n3A_8, %add3A_202 : i32
    %dma_start3A_204 = arith.constant 10 : i32
    %dma_start3A_205 = arith.constant 0 : i32
    %dma_start3A_206 = arith.constant 0 : i32
    %dma_start3A_207 = tpu.memref_slice %arg5[%dma_start3A_204, %dma_start3A_205, %dma_start3A_206] : memref<16x2x64xi32, #tpu.memory_space<vmem>> -> memref<1x2x64xi32, #tpu.memory_space<vmem>>
    %dma_start3A_208 = tpu.memref_squeeze %dma_start3A_207 : memref<1x2x64xi32, #tpu.memory_space<vmem>> -> memref<2x64xi32, #tpu.memory_space<vmem>>
    %dma_start3A_209 = arith.constant 0 : i32
    %dma_start3A_210 = arith.constant 0 : i32
    %dma_start3A_211 = tpu.memref_slice %arg3[%add3A_203, %dma_start3A_209, %dma_start3A_210] : memref<5120x2x64xi32, #tpu.memory_space<hbm>> -> memref<1x2x64xi32, #tpu.memory_space<hbm>>
    %dma_start3A_212 = tpu.memref_squeeze %dma_start3A_211 : memref<1x2x64xi32, #tpu.memory_space<hbm>> -> memref<2x64xi32, #tpu.memory_space<hbm>>
    %dma_start3A_213 = arith.constant 0 : i32
    %dma_start3A_214 = arith.constant 0 : i32
    %dma_start3A_215 = tpu.memref_slice %arg5[%dma_start3A_204, %dma_start3A_213, %dma_start3A_214] : memref<16x2x64xi32, #tpu.memory_space<vmem>> -> memref<1x2x64xi32, #tpu.memory_space<vmem>>
    %dma_start3A_216 = tpu.memref_squeeze %dma_start3A_215 : memref<1x2x64xi32, #tpu.memory_space<vmem>> -> memref<2x64xi32, #tpu.memory_space<vmem>>
    %dma_start3A_217 = arith.constant 0 : i32
    %dma_start3A_218 = arith.constant 0 : i32
    %dma_start3A_219 = tpu.memref_slice %arg3[%add3A_203, %dma_start3A_217, %dma_start3A_218] : memref<5120x2x64xi32, #tpu.memory_space<hbm>> -> memref<1x2x64xi32, #tpu.memory_space<hbm>>
    %dma_start3A_220 = tpu.memref_squeeze %dma_start3A_219 : memref<1x2x64xi32, #tpu.memory_space<hbm>> -> memref<2x64xi32, #tpu.memory_space<hbm>>
    tpu.enqueue_dma source(%dma_start3A_220 : memref<2x64xi32, #tpu.memory_space<hbm>>) target(%dma_start3A_216 : memref<2x64xi32, #tpu.memory_space<vmem>>) target_semaphore(%arg8 : memref<!tpu.dma_semaphore, #tpu.memory_space<semaphore_mem>>)
    %add3A_221 = arith.constant 11 : i32
    %add3A_222 = arith.addi %select_n3A_8, %add3A_221 : i32
    %dma_start3A_223 = arith.constant 11 : i32
    %dma_start3A_224 = arith.constant 0 : i32
    %dma_start3A_225 = arith.constant 0 : i32
    %dma_start3A_226 = tpu.memref_slice %arg5[%dma_start3A_223, %dma_start3A_224, %dma_start3A_225] : memref<16x2x64xi32, #tpu.memory_space<vmem>> -> memref<1x2x64xi32, #tpu.memory_space<vmem>>
    %dma_start3A_227 = tpu.memref_squeeze %dma_start3A_226 : memref<1x2x64xi32, #tpu.memory_space<vmem>> -> memref<2x64xi32, #tpu.memory_space<vmem>>
    %dma_start3A_228 = arith.constant 0 : i32
    %dma_start3A_229 = arith.constant 0 : i32
    %dma_start3A_230 = tpu.memref_slice %arg3[%add3A_222, %dma_start3A_228, %dma_start3A_229] : memref<5120x2x64xi32, #tpu.memory_space<hbm>> -> memref<1x2x64xi32, #tpu.memory_space<hbm>>
    %dma_start3A_231 = tpu.memref_squeeze %dma_start3A_230 : memref<1x2x64xi32, #tpu.memory_space<hbm>> -> memref<2x64xi32, #tpu.memory_space<hbm>>
    %dma_start3A_232 = arith.constant 0 : i32
    %dma_start3A_233 = arith.constant 0 : i32
    %dma_start3A_234 = tpu.memref_slice %arg5[%dma_start3A_223, %dma_start3A_232, %dma_start3A_233] : memref<16x2x64xi32, #tpu.memory_space<vmem>> -> memref<1x2x64xi32, #tpu.memory_space<vmem>>
    %dma_start3A_235 = tpu.memref_squeeze %dma_start3A_234 : memref<1x2x64xi32, #tpu.memory_space<vmem>> -> memref<2x64xi32, #tpu.memory_space<vmem>>
    %dma_start3A_236 = arith.constant 0 : i32
    %dma_start3A_237 = arith.constant 0 : i32
    %dma_start3A_238 = tpu.memref_slice %arg3[%add3A_222, %dma_start3A_236, %dma_start3A_237] : memref<5120x2x64xi32, #tpu.memory_space<hbm>> -> memref<1x2x64xi32, #tpu.memory_space<hbm>>
    %dma_start3A_239 = tpu.memref_squeeze %dma_start3A_238 : memref<1x2x64xi32, #tpu.memory_space<hbm>> -> memref<2x64xi32, #tpu.memory_space<hbm>>
    tpu.enqueue_dma source(%dma_start3A_239 : memref<2x64xi32, #tpu.memory_space<hbm>>) target(%dma_start3A_235 : memref<2x64xi32, #tpu.memory_space<vmem>>) target_semaphore(%arg8 : memref<!tpu.dma_semaphore, #tpu.memory_space<semaphore_mem>>)
    %add3A_240 = arith.constant 0 : i32
    %add3A_241 = arith.addi %select_n3A_8, %add3A_240 : i32
    %dma_wait3A = arith.constant 0 : i32
    %dma_wait3A_242 = arith.constant 0 : i32
    %dma_wait3A_243 = arith.constant 0 : i32
    %dma_wait3A_244 = tpu.memref_slice %arg5[%dma_wait3A, %dma_wait3A_242, %dma_wait3A_243] : memref<16x2x64xi32, #tpu.memory_space<vmem>> -> memref<1x2x64xi32, #tpu.memory_space<vmem>>
    %dma_wait3A_245 = tpu.memref_squeeze %dma_wait3A_244 : memref<1x2x64xi32, #tpu.memory_space<vmem>> -> memref<2x64xi32, #tpu.memory_space<vmem>>
    %dma_wait3A_246 = arith.constant 0 : i32
    %dma_wait3A_247 = arith.constant 0 : i32
    %dma_wait3A_248 = tpu.memref_slice %arg3[%add3A_241, %dma_wait3A_246, %dma_wait3A_247] : memref<5120x2x64xi32, #tpu.memory_space<hbm>> -> memref<1x2x64xi32, #tpu.memory_space<hbm>>
    %dma_wait3A_249 = tpu.memref_squeeze %dma_wait3A_248 : memref<1x2x64xi32, #tpu.memory_space<hbm>> -> memref<2x64xi32, #tpu.memory_space<hbm>>
    %dma_wait3A_250 = arith.constant 0 : i32
    %dma_wait3A_251 = arith.constant 0 : i32
    %dma_wait3A_252 = tpu.memref_slice %arg5[%dma_wait3A, %dma_wait3A_250, %dma_wait3A_251] : memref<16x2x64xi32, #tpu.memory_space<vmem>> -> memref<1x2x64xi32, #tpu.memory_space<vmem>>
    %dma_wait3A_253 = tpu.memref_squeeze %dma_wait3A_252 : memref<1x2x64xi32, #tpu.memory_space<vmem>> -> memref<2x64xi32, #tpu.memory_space<vmem>>
    %dma_wait3A_254 = arith.constant 0 : i32
    %dma_wait3A_255 = arith.constant 0 : i32
    %dma_wait3A_256 = tpu.memref_slice %arg3[%add3A_241, %dma_wait3A_254, %dma_wait3A_255] : memref<5120x2x64xi32, #tpu.memory_space<hbm>> -> memref<1x2x64xi32, #tpu.memory_space<hbm>>
    %dma_wait3A_257 = tpu.memref_squeeze %dma_wait3A_256 : memref<1x2x64xi32, #tpu.memory_space<hbm>> -> memref<2x64xi32, #tpu.memory_space<hbm>>
    tpu.wait_dma2 semaphore(%arg8 : memref<!tpu.dma_semaphore, #tpu.memory_space<semaphore_mem>>) src(%dma_wait3A_257 : memref<2x64xi32, #tpu.memory_space<hbm>>) dst(%dma_wait3A_253 : memref<2x64xi32, #tpu.memory_space<vmem>>)
    %dma_start3A_258 = arith.constant 0 : i32
    %dma_start3A_259 = arith.constant 0 : i32
    %dma_start3A_260 = arith.constant 0 : i32
    %dma_start3A_261 = arith.constant 0 : i32
    %dma_start3A_262 = arith.constant 0 : i32
    %dma_start3A_263 = tpu.memref_slice %arg6[%dma_start3A_260, %dma_start3A_261, %dma_start3A_262] : memref<4x64x128xf32, #tpu.memory_space<vmem>> -> memref<1x64x128xf32, #tpu.memory_space<vmem>>
    %dma_start3A_264 = tpu.memref_squeeze %dma_start3A_263 : memref<1x64x128xf32, #tpu.memory_space<vmem>> -> memref<64x128xf32, #tpu.memory_space<vmem>>
    %dma_start3A_265 = arith.constant 0 : i32
    %dma_start3A_266 = tpu.memref_slice %arg5[%dma_start3A_258, %dma_start3A_259, %dma_start3A_265] : memref<16x2x64xi32, #tpu.memory_space<vmem>> -> memref<1x1x64xi32, #tpu.memory_space<vmem>>
    %dma_start3A_267 = tpu.memref_squeeze %dma_start3A_266 : memref<1x1x64xi32, #tpu.memory_space<vmem>> -> memref<64xi32, #tpu.memory_space<vmem>>
    %dma_start3A_268 = arith.constant 0 : i32
    %dma_start3A_269 = arith.constant 0 : i32
    %dma_start3A_270 = tpu.memref_slice %arg2[%dma_start3A_268, %dma_start3A_269] : memref<10240x128xf32, #tpu.memory_space<hbm>> -> memref<10240x128xf32, #tpu.memory_space<hbm>>
    tpu.enqueue_indirect_dma source(%dma_start3A_270 : memref<10240x128xf32, #tpu.memory_space<hbm>>) target(%dma_start3A_264 : memref<64x128xf32, #tpu.memory_space<vmem>>) offsets(%dma_start3A_267 : memref<64xi32, #tpu.memory_space<vmem>>) semaphore(%arg9 : memref<!tpu.dma_semaphore, #tpu.memory_space<semaphore_mem>>)
    %add3A_271 = arith.constant 1 : i32
    %add3A_272 = arith.addi %select_n3A_8, %add3A_271 : i32
    %dma_wait3A_273 = arith.constant 1 : i32
    %dma_wait3A_274 = arith.constant 0 : i32
    %dma_wait3A_275 = arith.constant 0 : i32
    %dma_wait3A_276 = tpu.memref_slice %arg5[%dma_wait3A_273, %dma_wait3A_274, %dma_wait3A_275] : memref<16x2x64xi32, #tpu.memory_space<vmem>> -> memref<1x2x64xi32, #tpu.memory_space<vmem>>
    %dma_wait3A_277 = tpu.memref_squeeze %dma_wait3A_276 : memref<1x2x64xi32, #tpu.memory_space<vmem>> -> memref<2x64xi32, #tpu.memory_space<vmem>>
    %dma_wait3A_278 = arith.constant 0 : i32
    %dma_wait3A_279 = arith.constant 0 : i32
    %dma_wait3A_280 = tpu.memref_slice %arg3[%add3A_272, %dma_wait3A_278, %dma_wait3A_279] : memref<5120x2x64xi32, #tpu.memory_space<hbm>> -> memref<1x2x64xi32, #tpu.memory_space<hbm>>
    %dma_wait3A_281 = tpu.memref_squeeze %dma_wait3A_280 : memref<1x2x64xi32, #tpu.memory_space<hbm>> -> memref<2x64xi32, #tpu.memory_space<hbm>>
    %dma_wait3A_282 = arith.constant 0 : i32
    %dma_wait3A_283 = arith.constant 0 : i32
    %dma_wait3A_284 = tpu.memref_slice %arg5[%dma_wait3A_273, %dma_wait3A_282, %dma_wait3A_283] : memref<16x2x64xi32, #tpu.memory_space<vmem>> -> memref<1x2x64xi32, #tpu.memory_space<vmem>>
    %dma_wait3A_285 = tpu.memref_squeeze %dma_wait3A_284 : memref<1x2x64xi32, #tpu.memory_space<vmem>> -> memref<2x64xi32, #tpu.memory_space<vmem>>
    %dma_wait3A_286 = arith.constant 0 : i32
    %dma_wait3A_287 = arith.constant 0 : i32
    %dma_wait3A_288 = tpu.memref_slice %arg3[%add3A_272, %dma_wait3A_286, %dma_wait3A_287] : memref<5120x2x64xi32, #tpu.memory_space<hbm>> -> memref<1x2x64xi32, #tpu.memory_space<hbm>>
    %dma_wait3A_289 = tpu.memref_squeeze %dma_wait3A_288 : memref<1x2x64xi32, #tpu.memory_space<hbm>> -> memref<2x64xi32, #tpu.memory_space<hbm>>
    tpu.wait_dma2 semaphore(%arg8 : memref<!tpu.dma_semaphore, #tpu.memory_space<semaphore_mem>>) src(%dma_wait3A_289 : memref<2x64xi32, #tpu.memory_space<hbm>>) dst(%dma_wait3A_285 : memref<2x64xi32, #tpu.memory_space<vmem>>)
    %dma_start3A_290 = arith.constant 1 : i32
    %dma_start3A_291 = arith.constant 0 : i32
    %dma_start3A_292 = arith.constant 1 : i32
    %dma_start3A_293 = arith.constant 0 : i32
    %dma_start3A_294 = arith.constant 0 : i32
    %dma_start3A_295 = tpu.memref_slice %arg6[%dma_start3A_292, %dma_start3A_293, %dma_start3A_294] : memref<4x64x128xf32, #tpu.memory_space<vmem>> -> memref<1x64x128xf32, #tpu.memory_space<vmem>>
    %dma_start3A_296 = tpu.memref_squeeze %dma_start3A_295 : memref<1x64x128xf32, #tpu.memory_space<vmem>> -> memref<64x128xf32, #tpu.memory_space<vmem>>
    %dma_start3A_297 = arith.constant 0 : i32
    %dma_start3A_298 = tpu.memref_slice %arg5[%dma_start3A_290, %dma_start3A_291, %dma_start3A_297] : memref<16x2x64xi32, #tpu.memory_space<vmem>> -> memref<1x1x64xi32, #tpu.memory_space<vmem>>
    %dma_start3A_299 = tpu.memref_squeeze %dma_start3A_298 : memref<1x1x64xi32, #tpu.memory_space<vmem>> -> memref<64xi32, #tpu.memory_space<vmem>>
    %dma_start3A_300 = arith.constant 0 : i32
    %dma_start3A_301 = arith.constant 0 : i32
    %dma_start3A_302 = tpu.memref_slice %arg2[%dma_start3A_300, %dma_start3A_301] : memref<10240x128xf32, #tpu.memory_space<hbm>> -> memref<10240x128xf32, #tpu.memory_space<hbm>>
    tpu.enqueue_indirect_dma source(%dma_start3A_302 : memref<10240x128xf32, #tpu.memory_space<hbm>>) target(%dma_start3A_296 : memref<64x128xf32, #tpu.memory_space<vmem>>) offsets(%dma_start3A_299 : memref<64xi32, #tpu.memory_space<vmem>>) semaphore(%arg9 : memref<!tpu.dma_semaphore, #tpu.memory_space<semaphore_mem>>)
    %add3A_303 = arith.constant 2 : i32
    %add3A_304 = arith.addi %select_n3A_8, %add3A_303 : i32
    %dma_wait3A_305 = arith.constant 2 : i32
    %dma_wait3A_306 = arith.constant 0 : i32
    %dma_wait3A_307 = arith.constant 0 : i32
    %dma_wait3A_308 = tpu.memref_slice %arg5[%dma_wait3A_305, %dma_wait3A_306, %dma_wait3A_307] : memref<16x2x64xi32, #tpu.memory_space<vmem>> -> memref<1x2x64xi32, #tpu.memory_space<vmem>>
    %dma_wait3A_309 = tpu.memref_squeeze %dma_wait3A_308 : memref<1x2x64xi32, #tpu.memory_space<vmem>> -> memref<2x64xi32, #tpu.memory_space<vmem>>
    %dma_wait3A_310 = arith.constant 0 : i32
    %dma_wait3A_311 = arith.constant 0 : i32
    %dma_wait3A_312 = tpu.memref_slice %arg3[%add3A_304, %dma_wait3A_310, %dma_wait3A_311] : memref<5120x2x64xi32, #tpu.memory_space<hbm>> -> memref<1x2x64xi32, #tpu.memory_space<hbm>>
    %dma_wait3A_313 = tpu.memref_squeeze %dma_wait3A_312 : memref<1x2x64xi32, #tpu.memory_space<hbm>> -> memref<2x64xi32, #tpu.memory_space<hbm>>
    %dma_wait3A_314 = arith.constant 0 : i32
    %dma_wait3A_315 = arith.constant 0 : i32
    %dma_wait3A_316 = tpu.memref_slice %arg5[%dma_wait3A_305, %dma_wait3A_314, %dma_wait3A_315] : memref<16x2x64xi32, #tpu.memory_space<vmem>> -> memref<1x2x64xi32, #tpu.memory_space<vmem>>
    %dma_wait3A_317 = tpu.memref_squeeze %dma_wait3A_316 : memref<1x2x64xi32, #tpu.memory_space<vmem>> -> memref<2x64xi32, #tpu.memory_space<vmem>>
    %dma_wait3A_318 = arith.constant 0 : i32
    %dma_wait3A_319 = arith.constant 0 : i32
    %dma_wait3A_320 = tpu.memref_slice %arg3[%add3A_304, %dma_wait3A_318, %dma_wait3A_319] : memref<5120x2x64xi32, #tpu.memory_space<hbm>> -> memref<1x2x64xi32, #tpu.memory_space<hbm>>
    %dma_wait3A_321 = tpu.memref_squeeze %dma_wait3A_320 : memref<1x2x64xi32, #tpu.memory_space<hbm>> -> memref<2x64xi32, #tpu.memory_space<hbm>>
    tpu.wait_dma2 semaphore(%arg8 : memref<!tpu.dma_semaphore, #tpu.memory_space<semaphore_mem>>) src(%dma_wait3A_321 : memref<2x64xi32, #tpu.memory_space<hbm>>) dst(%dma_wait3A_317 : memref<2x64xi32, #tpu.memory_space<vmem>>)
    %dma_start3A_322 = arith.constant 2 : i32
    %dma_start3A_323 = arith.constant 0 : i32
    %dma_start3A_324 = arith.constant 2 : i32
    %dma_start3A_325 = arith.constant 0 : i32
    %dma_start3A_326 = arith.constant 0 : i32
    %dma_start3A_327 = tpu.memref_slice %arg6[%dma_start3A_324, %dma_start3A_325, %dma_start3A_326] : memref<4x64x128xf32, #tpu.memory_space<vmem>> -> memref<1x64x128xf32, #tpu.memory_space<vmem>>
    %dma_start3A_328 = tpu.memref_squeeze %dma_start3A_327 : memref<1x64x128xf32, #tpu.memory_space<vmem>> -> memref<64x128xf32, #tpu.memory_space<vmem>>
    %dma_start3A_329 = arith.constant 0 : i32
    %dma_start3A_330 = tpu.memref_slice %arg5[%dma_start3A_322, %dma_start3A_323, %dma_start3A_329] : memref<16x2x64xi32, #tpu.memory_space<vmem>> -> memref<1x1x64xi32, #tpu.memory_space<vmem>>
    %dma_start3A_331 = tpu.memref_squeeze %dma_start3A_330 : memref<1x1x64xi32, #tpu.memory_space<vmem>> -> memref<64xi32, #tpu.memory_space<vmem>>
    %dma_start3A_332 = arith.constant 0 : i32
    %dma_start3A_333 = arith.constant 0 : i32
    %dma_start3A_334 = tpu.memref_slice %arg2[%dma_start3A_332, %dma_start3A_333] : memref<10240x128xf32, #tpu.memory_space<hbm>> -> memref<10240x128xf32, #tpu.memory_space<hbm>>
    tpu.enqueue_indirect_dma source(%dma_start3A_334 : memref<10240x128xf32, #tpu.memory_space<hbm>>) target(%dma_start3A_328 : memref<64x128xf32, #tpu.memory_space<vmem>>) offsets(%dma_start3A_331 : memref<64xi32, #tpu.memory_space<vmem>>) semaphore(%arg9 : memref<!tpu.dma_semaphore, #tpu.memory_space<semaphore_mem>>)
    %add3A_335 = arith.constant 3 : i32
    %add3A_336 = arith.addi %select_n3A_8, %add3A_335 : i32
    %dma_wait3A_337 = arith.constant 3 : i32
    %dma_wait3A_338 = arith.constant 0 : i32
    %dma_wait3A_339 = arith.constant 0 : i32
    %dma_wait3A_340 = tpu.memref_slice %arg5[%dma_wait3A_337, %dma_wait3A_338, %dma_wait3A_339] : memref<16x2x64xi32, #tpu.memory_space<vmem>> -> memref<1x2x64xi32, #tpu.memory_space<vmem>>
    %dma_wait3A_341 = tpu.memref_squeeze %dma_wait3A_340 : memref<1x2x64xi32, #tpu.memory_space<vmem>> -> memref<2x64xi32, #tpu.memory_space<vmem>>
    %dma_wait3A_342 = arith.constant 0 : i32
    %dma_wait3A_343 = arith.constant 0 : i32
    %dma_wait3A_344 = tpu.memref_slice %arg3[%add3A_336, %dma_wait3A_342, %dma_wait3A_343] : memref<5120x2x64xi32, #tpu.memory_space<hbm>> -> memref<1x2x64xi32, #tpu.memory_space<hbm>>
    %dma_wait3A_345 = tpu.memref_squeeze %dma_wait3A_344 : memref<1x2x64xi32, #tpu.memory_space<hbm>> -> memref<2x64xi32, #tpu.memory_space<hbm>>
    %dma_wait3A_346 = arith.constant 0 : i32
    %dma_wait3A_347 = arith.constant 0 : i32
    %dma_wait3A_348 = tpu.memref_slice %arg5[%dma_wait3A_337, %dma_wait3A_346, %dma_wait3A_347] : memref<16x2x64xi32, #tpu.memory_space<vmem>> -> memref<1x2x64xi32, #tpu.memory_space<vmem>>
    %dma_wait3A_349 = tpu.memref_squeeze %dma_wait3A_348 : memref<1x2x64xi32, #tpu.memory_space<vmem>> -> memref<2x64xi32, #tpu.memory_space<vmem>>
    %dma_wait3A_350 = arith.constant 0 : i32
    %dma_wait3A_351 = arith.constant 0 : i32
    %dma_wait3A_352 = tpu.memref_slice %arg3[%add3A_336, %dma_wait3A_350, %dma_wait3A_351] : memref<5120x2x64xi32, #tpu.memory_space<hbm>> -> memref<1x2x64xi32, #tpu.memory_space<hbm>>
    %dma_wait3A_353 = tpu.memref_squeeze %dma_wait3A_352 : memref<1x2x64xi32, #tpu.memory_space<hbm>> -> memref<2x64xi32, #tpu.memory_space<hbm>>
    tpu.wait_dma2 semaphore(%arg8 : memref<!tpu.dma_semaphore, #tpu.memory_space<semaphore_mem>>) src(%dma_wait3A_353 : memref<2x64xi32, #tpu.memory_space<hbm>>) dst(%dma_wait3A_349 : memref<2x64xi32, #tpu.memory_space<vmem>>)
    %dma_start3A_354 = arith.constant 3 : i32
    %dma_start3A_355 = arith.constant 0 : i32
    %dma_start3A_356 = arith.constant 3 : i32
    %dma_start3A_357 = arith.constant 0 : i32
    %dma_start3A_358 = arith.constant 0 : i32
    %dma_start3A_359 = tpu.memref_slice %arg6[%dma_start3A_356, %dma_start3A_357, %dma_start3A_358] : memref<4x64x128xf32, #tpu.memory_space<vmem>> -> memref<1x64x128xf32, #tpu.memory_space<vmem>>
    %dma_start3A_360 = tpu.memref_squeeze %dma_start3A_359 : memref<1x64x128xf32, #tpu.memory_space<vmem>> -> memref<64x128xf32, #tpu.memory_space<vmem>>
    %dma_start3A_361 = arith.constant 0 : i32
    %dma_start3A_362 = tpu.memref_slice %arg5[%dma_start3A_354, %dma_start3A_355, %dma_start3A_361] : memref<16x2x64xi32, #tpu.memory_space<vmem>> -> memref<1x1x64xi32, #tpu.memory_space<vmem>>
    %dma_start3A_363 = tpu.memref_squeeze %dma_start3A_362 : memref<1x1x64xi32, #tpu.memory_space<vmem>> -> memref<64xi32, #tpu.memory_space<vmem>>
    %dma_start3A_364 = arith.constant 0 : i32
    %dma_start3A_365 = arith.constant 0 : i32
    %dma_start3A_366 = tpu.memref_slice %arg2[%dma_start3A_364, %dma_start3A_365] : memref<10240x128xf32, #tpu.memory_space<hbm>> -> memref<10240x128xf32, #tpu.memory_space<hbm>>
    tpu.enqueue_indirect_dma source(%dma_start3A_366 : memref<10240x128xf32, #tpu.memory_space<hbm>>) target(%dma_start3A_360 : memref<64x128xf32, #tpu.memory_space<vmem>>) offsets(%dma_start3A_363 : memref<64xi32, #tpu.memory_space<vmem>>) semaphore(%arg9 : memref<!tpu.dma_semaphore, #tpu.memory_space<semaphore_mem>>)
    %while3A = arith.constant 0 : i32
    %while3A_367 = arith.constant 0 : i32
    %while3A_368 = arith.subi %select_n3A, %while3A_367 : i32
    %while3A_369 = arith.addi %while3A_367, %while3A_368 : i32
    %while3A_370 = arith.constant 1 : i32
    %while3A_371 = arith.divsi %while3A_368, %while3A_370 : i32
    %while3A_372 = arith.muli %while3A_371, %while3A_370 : i32
    %while3A_373 = arith.addi %while3A_367, %while3A_372 : i32
    %while3A_374 = arith.constant 1 : i32
    scf.for %while3A_381 = %while3A_367 to %while3A_373 step %while3A_374  : i32 {
      %rem3A = arith.constant 4 : i32
      %rem3A_382 = arith.remsi %while3A_381, %rem3A : i32
      %rem3A_383 = arith.constant 16 : i32
      %rem3A_384 = arith.remsi %while3A_381, %rem3A_383 : i32
      %dma_wait3A_385 = arith.constant 0 : i32
      %dma_wait3A_386 = arith.constant 0 : i32
      %dma_wait3A_387 = arith.constant 0 : i32
      %dma_wait3A_388 = tpu.memref_slice %arg6[%rem3A_382, %dma_wait3A_386, %dma_wait3A_387] : memref<4x64x128xf32, #tpu.memory_space<vmem>> -> memref<1x64x128xf32, #tpu.memory_space<vmem>>
      %dma_wait3A_389 = tpu.memref_squeeze %dma_wait3A_388 : memref<1x64x128xf32, #tpu.memory_space<vmem>> -> memref<64x128xf32, #tpu.memory_space<vmem>>
      %dma_wait3A_390 = arith.constant 0 : i32
      %dma_wait3A_391 = tpu.memref_slice %arg5[%rem3A_384, %dma_wait3A_385, %dma_wait3A_390] : memref<16x2x64xi32, #tpu.memory_space<vmem>> -> memref<1x1x64xi32, #tpu.memory_space<vmem>>
      %dma_wait3A_392 = tpu.memref_squeeze %dma_wait3A_391 : memref<1x1x64xi32, #tpu.memory_space<vmem>> -> memref<64xi32, #tpu.memory_space<vmem>>
      %dma_wait3A_393 = arith.constant 0 : i32
      %dma_wait3A_394 = arith.constant 0 : i32
      %dma_wait3A_395 = tpu.memref_slice %arg2[%dma_wait3A_393, %dma_wait3A_394] : memref<10240x128xf32, #tpu.memory_space<hbm>> -> memref<10240x128xf32, #tpu.memory_space<hbm>>
      tpu.wait_indirect_dma semaphore(%arg9 : memref<!tpu.dma_semaphore, #tpu.memory_space<semaphore_mem>>) src(%dma_wait3A_395 : memref<10240x128xf32, #tpu.memory_space<hbm>>) dst(%dma_wait3A_389 : memref<64x128xf32, #tpu.memory_space<vmem>>)
      %run_scoped3A = arith.constant 1 : i32
      "tpu.region"() ({
        %run_scoped3A_405 = tpu.sem_alloc : memref<!tpu.dma_semaphore, #tpu.memory_space<semaphore_mem>>
        %dma_start3A_406 = arith.constant 0 : i32
        %dma_start3A_407 = arith.constant 0 : i32
        %dma_start3A_408 = tpu.memref_slice %arg6[%rem3A_382, %dma_start3A_406, %dma_start3A_407] : memref<4x64x128xf32, #tpu.memory_space<vmem>> -> memref<1x64x128xf32, #tpu.memory_space<vmem>>
        %dma_start3A_409 = tpu.memref_squeeze %dma_start3A_408 : memref<1x64x128xf32, #tpu.memory_space<vmem>> -> memref<64x128xf32, #tpu.memory_space<vmem>>
        %dma_start3A_410 = arith.constant 0 : i32
        %dma_start3A_411 = tpu.memref_slice %arg5[%rem3A_384, %run_scoped3A, %dma_start3A_410] : memref<16x2x64xi32, #tpu.memory_space<vmem>> -> memref<1x1x64xi32, #tpu.memory_space<vmem>>
        %dma_start3A_412 = tpu.memref_squeeze %dma_start3A_411 : memref<1x1x64xi32, #tpu.memory_space<vmem>> -> memref<64xi32, #tpu.memory_space<vmem>>
        %dma_start3A_413 = arith.constant 0 : i32
        %dma_start3A_414 = arith.constant 0 : i32
        %dma_start3A_415 = tpu.memref_slice %arg7[%dma_start3A_413, %dma_start3A_414] : memref<10240x128xf32, #tpu.memory_space<vmem_shared>> -> memref<10240x128xf32, #tpu.memory_space<vmem_shared>>
        tpu.enqueue_indirect_dma source(%dma_start3A_409 : memref<64x128xf32, #tpu.memory_space<vmem>>) target(%dma_start3A_415 : memref<10240x128xf32, #tpu.memory_space<vmem_shared>>) offsets(%dma_start3A_412 : memref<64xi32, #tpu.memory_space<vmem>>) semaphore(%run_scoped3A_405 : memref<!tpu.dma_semaphore, #tpu.memory_space<semaphore_mem>>) {add = true}
        %dma_wait3A_416 = arith.constant 0 : i32
        %dma_wait3A_417 = arith.constant 0 : i32
        %dma_wait3A_418 = tpu.memref_slice %arg6[%rem3A_382, %dma_wait3A_416, %dma_wait3A_417] : memref<4x64x128xf32, #tpu.memory_space<vmem>> -> memref<1x64x128xf32, #tpu.memory_space<vmem>>
        %dma_wait3A_419 = tpu.memref_squeeze %dma_wait3A_418 : memref<1x64x128xf32, #tpu.memory_space<vmem>> -> memref<64x128xf32, #tpu.memory_space<vmem>>
        %dma_wait3A_420 = arith.constant 0 : i32
        %dma_wait3A_421 = tpu.memref_slice %arg5[%rem3A_384, %run_scoped3A, %dma_wait3A_420] : memref<16x2x64xi32, #tpu.memory_space<vmem>> -> memref<1x1x64xi32, #tpu.memory_space<vmem>>
        %dma_wait3A_422 = tpu.memref_squeeze %dma_wait3A_421 : memref<1x1x64xi32, #tpu.memory_space<vmem>> -> memref<64xi32, #tpu.memory_space<vmem>>
        %dma_wait3A_423 = arith.constant 0 : i32
        %dma_wait3A_424 = arith.constant 0 : i32
        %dma_wait3A_425 = tpu.memref_slice %arg7[%dma_wait3A_423, %dma_wait3A_424] : memref<10240x128xf32, #tpu.memory_space<vmem_shared>> -> memref<10240x128xf32, #tpu.memory_space<vmem_shared>>
        tpu.wait_indirect_dma semaphore(%run_scoped3A_405 : memref<!tpu.dma_semaphore, #tpu.memory_space<semaphore_mem>>) src(%dma_wait3A_419 : memref<64x128xf32, #tpu.memory_space<vmem>>) dst(%dma_wait3A_425 : memref<10240x128xf32, #tpu.memory_space<vmem_shared>>)
        tpu.yield
      }) : () -> ()
      %add3A_396 = arith.constant 4 : i32
      %add3A_397 = arith.addi %while3A_381, %add3A_396 : i32
      %lt3A = arith.cmpi slt, %add3A_397, %select_n3A : i32
      %convert_element_type3A = arith.extui %lt3A : i1 to i32
      %cond3A = arith.constant 0 : i32
      %cond3A_398 = arith.cmpi ne, %convert_element_type3A, %cond3A : i32
      scf.if %cond3A_398 {
        %add3A_405 = arith.constant 4 : i32
        %add3A_406 = arith.addi %while3A_381, %add3A_405 : i32
        %rem3A_407 = arith.constant 16 : i32
        %rem3A_408 = arith.remsi %add3A_406, %rem3A_407 : i32
        %add3A_409 = arith.addi %select_n3A_8, %while3A_381 : i32
        %add3A_410 = arith.constant 4 : i32
        %add3A_411 = arith.addi %add3A_409, %add3A_410 : i32
        %dma_wait3A_412 = arith.constant 0 : i32
        %dma_wait3A_413 = arith.constant 0 : i32
        %dma_wait3A_414 = tpu.memref_slice %arg5[%rem3A_408, %dma_wait3A_412, %dma_wait3A_413] : memref<16x2x64xi32, #tpu.memory_space<vmem>> -> memref<1x2x64xi32, #tpu.memory_space<vmem>>
        %dma_wait3A_415 = tpu.memref_squeeze %dma_wait3A_414 : memref<1x2x64xi32, #tpu.memory_space<vmem>> -> memref<2x64xi32, #tpu.memory_space<vmem>>
        %dma_wait3A_416 = arith.constant 0 : i32
        %dma_wait3A_417 = arith.constant 0 : i32
        %dma_wait3A_418 = tpu.memref_slice %arg3[%add3A_411, %dma_wait3A_416, %dma_wait3A_417] : memref<5120x2x64xi32, #tpu.memory_space<hbm>> -> memref<1x2x64xi32, #tpu.memory_space<hbm>>
        %dma_wait3A_419 = tpu.memref_squeeze %dma_wait3A_418 : memref<1x2x64xi32, #tpu.memory_space<hbm>> -> memref<2x64xi32, #tpu.memory_space<hbm>>
        %dma_wait3A_420 = arith.constant 0 : i32
        %dma_wait3A_421 = arith.constant 0 : i32
        %dma_wait3A_422 = tpu.memref_slice %arg5[%rem3A_408, %dma_wait3A_420, %dma_wait3A_421] : memref<16x2x64xi32, #tpu.memory_space<vmem>> -> memref<1x2x64xi32, #tpu.memory_space<vmem>>
        %dma_wait3A_423 = tpu.memref_squeeze %dma_wait3A_422 : memref<1x2x64xi32, #tpu.memory_space<vmem>> -> memref<2x64xi32, #tpu.memory_space<vmem>>
        %dma_wait3A_424 = arith.constant 0 : i32
        %dma_wait3A_425 = arith.constant 0 : i32
        %dma_wait3A_426 = tpu.memref_slice %arg3[%add3A_411, %dma_wait3A_424, %dma_wait3A_425] : memref<5120x2x64xi32, #tpu.memory_space<hbm>> -> memref<1x2x64xi32, #tpu.memory_space<hbm>>
        %dma_wait3A_427 = tpu.memref_squeeze %dma_wait3A_426 : memref<1x2x64xi32, #tpu.memory_space<hbm>> -> memref<2x64xi32, #tpu.memory_space<hbm>>
        tpu.wait_dma2 semaphore(%arg8 : memref<!tpu.dma_semaphore, #tpu.memory_space<semaphore_mem>>) src(%dma_wait3A_427 : memref<2x64xi32, #tpu.memory_space<hbm>>) dst(%dma_wait3A_423 : memref<2x64xi32, #tpu.memory_space<vmem>>)
        %dma_start3A_428 = arith.constant 0 : i32
        %dma_start3A_429 = arith.constant 0 : i32
        %dma_start3A_430 = arith.constant 0 : i32
        %dma_start3A_431 = tpu.memref_slice %arg6[%rem3A_382, %dma_start3A_429, %dma_start3A_430] : memref<4x64x128xf32, #tpu.memory_space<vmem>> -> memref<1x64x128xf32, #tpu.memory_space<vmem>>
        %dma_start3A_432 = tpu.memref_squeeze %dma_start3A_431 : memref<1x64x128xf32, #tpu.memory_space<vmem>> -> memref<64x128xf32, #tpu.memory_space<vmem>>
        %dma_start3A_433 = arith.constant 0 : i32
        %dma_start3A_434 = tpu.memref_slice %arg5[%rem3A_408, %dma_start3A_428, %dma_start3A_433] : memref<16x2x64xi32, #tpu.memory_space<vmem>> -> memref<1x1x64xi32, #tpu.memory_space<vmem>>
        %dma_start3A_435 = tpu.memref_squeeze %dma_start3A_434 : memref<1x1x64xi32, #tpu.memory_space<vmem>> -> memref<64xi32, #tpu.memory_space<vmem>>
        %dma_start3A_436 = arith.constant 0 : i32
        %dma_start3A_437 = arith.constant 0 : i32
        %dma_start3A_438 = tpu.memref_slice %arg2[%dma_start3A_436, %dma_start3A_437] : memref<10240x128xf32, #tpu.memory_space<hbm>> -> memref<10240x128xf32, #tpu.memory_space<hbm>>
        tpu.enqueue_indirect_dma source(%dma_start3A_438 : memref<10240x128xf32, #tpu.memory_space<hbm>>) target(%dma_start3A_432 : memref<64x128xf32, #tpu.memory_space<vmem>>) offsets(%dma_start3A_435 : memref<64xi32, #tpu.memory_space<vmem>>) semaphore(%arg9 : memref<!tpu.dma_semaphore, #tpu.memory_space<semaphore_mem>>)
      } else {
      }
      %add3A_399 = arith.constant 12 : i32
      %add3A_400 = arith.addi %while3A_381, %add3A_399 : i32
      %lt3A_401 = arith.cmpi slt, %add3A_400, %select_n3A : i32
      %convert_element_type3A_402 = arith.extui %lt3A_401 : i1 to i32
      %cond3A_403 = arith.constant 0 : i32
      %cond3A_404 = arith.cmpi ne, %convert_element_type3A_402, %cond3A_403 : i32
      scf.if %cond3A_404 {
        %add3A_405 = arith.constant 12 : i32
        %add3A_406 = arith.addi %while3A_381, %add3A_405 : i32
        %rem3A_407 = arith.constant 16 : i32
        %rem3A_408 = arith.remsi %add3A_406, %rem3A_407 : i32
        %add3A_409 = arith.addi %select_n3A_8, %while3A_381 : i32
        %add3A_410 = arith.constant 12 : i32
        %add3A_411 = arith.addi %add3A_409, %add3A_410 : i32
        %dma_start3A_412 = arith.constant 0 : i32
        %dma_start3A_413 = arith.constant 0 : i32
        %dma_start3A_414 = tpu.memref_slice %arg5[%rem3A_408, %dma_start3A_412, %dma_start3A_413] : memref<16x2x64xi32, #tpu.memory_space<vmem>> -> memref<1x2x64xi32, #tpu.memory_space<vmem>>
        %dma_start3A_415 = tpu.memref_squeeze %dma_start3A_414 : memref<1x2x64xi32, #tpu.memory_space<vmem>> -> memref<2x64xi32, #tpu.memory_space<vmem>>
        %dma_start3A_416 = arith.constant 0 : i32
        %dma_start3A_417 = arith.constant 0 : i32
        %dma_start3A_418 = tpu.memref_slice %arg3[%add3A_411, %dma_start3A_416, %dma_start3A_417] : memref<5120x2x64xi32, #tpu.memory_space<hbm>> -> memref<1x2x64xi32, #tpu.memory_space<hbm>>
        %dma_start3A_419 = tpu.memref_squeeze %dma_start3A_418 : memref<1x2x64xi32, #tpu.memory_space<hbm>> -> memref<2x64xi32, #tpu.memory_space<hbm>>
        %dma_start3A_420 = arith.constant 0 : i32
        %dma_start3A_421 = arith.constant 0 : i32
        %dma_start3A_422 = tpu.memref_slice %arg5[%rem3A_408, %dma_start3A_420, %dma_start3A_421] : memref<16x2x64xi32, #tpu.memory_space<vmem>> -> memref<1x2x64xi32, #tpu.memory_space<vmem>>
        %dma_start3A_423 = tpu.memref_squeeze %dma_start3A_422 : memref<1x2x64xi32, #tpu.memory_space<vmem>> -> memref<2x64xi32, #tpu.memory_space<vmem>>
        %dma_start3A_424 = arith.constant 0 : i32
        %dma_start3A_425 = arith.constant 0 : i32
        %dma_start3A_426 = tpu.memref_slice %arg3[%add3A_411, %dma_start3A_424, %dma_start3A_425] : memref<5120x2x64xi32, #tpu.memory_space<hbm>> -> memref<1x2x64xi32, #tpu.memory_space<hbm>>
        %dma_start3A_427 = tpu.memref_squeeze %dma_start3A_426 : memref<1x2x64xi32, #tpu.memory_space<hbm>> -> memref<2x64xi32, #tpu.memory_space<hbm>>
        tpu.enqueue_dma source(%dma_start3A_427 : memref<2x64xi32, #tpu.memory_space<hbm>>) target(%dma_start3A_423 : memref<2x64xi32, #tpu.memory_space<vmem>>) target_semaphore(%arg8 : memref<!tpu.dma_semaphore, #tpu.memory_space<semaphore_mem>>)
      } else {
      }
    }
    %while3A_375 = arith.constant 1 : i32
    scf.for %while3A_381 = %while3A_373 to %while3A_369 step %while3A_375  : i32 {
      %rem3A = arith.constant 4 : i32
      %rem3A_382 = arith.remsi %while3A_381, %rem3A : i32
      %rem3A_383 = arith.constant 16 : i32
      %rem3A_384 = arith.remsi %while3A_381, %rem3A_383 : i32
      %dma_wait3A_385 = arith.constant 0 : i32
      %dma_wait3A_386 = arith.constant 0 : i32
      %dma_wait3A_387 = arith.constant 0 : i32
      %dma_wait3A_388 = tpu.memref_slice %arg6[%rem3A_382, %dma_wait3A_386, %dma_wait3A_387] : memref<4x64x128xf32, #tpu.memory_space<vmem>> -> memref<1x64x128xf32, #tpu.memory_space<vmem>>
      %dma_wait3A_389 = tpu.memref_squeeze %dma_wait3A_388 : memref<1x64x128xf32, #tpu.memory_space<vmem>> -> memref<64x128xf32, #tpu.memory_space<vmem>>
      %dma_wait3A_390 = arith.constant 0 : i32
      %dma_wait3A_391 = tpu.memref_slice %arg5[%rem3A_384, %dma_wait3A_385, %dma_wait3A_390] : memref<16x2x64xi32, #tpu.memory_space<vmem>> -> memref<1x1x64xi32, #tpu.memory_space<vmem>>
      %dma_wait3A_392 = tpu.memref_squeeze %dma_wait3A_391 : memref<1x1x64xi32, #tpu.memory_space<vmem>> -> memref<64xi32, #tpu.memory_space<vmem>>
      %dma_wait3A_393 = arith.constant 0 : i32
      %dma_wait3A_394 = arith.constant 0 : i32
      %dma_wait3A_395 = tpu.memref_slice %arg2[%dma_wait3A_393, %dma_wait3A_394] : memref<10240x128xf32, #tpu.memory_space<hbm>> -> memref<10240x128xf32, #tpu.memory_space<hbm>>
      tpu.wait_indirect_dma semaphore(%arg9 : memref<!tpu.dma_semaphore, #tpu.memory_space<semaphore_mem>>) src(%dma_wait3A_395 : memref<10240x128xf32, #tpu.memory_space<hbm>>) dst(%dma_wait3A_389 : memref<64x128xf32, #tpu.memory_space<vmem>>)
      %run_scoped3A = arith.constant 1 : i32
      "tpu.region"() ({
        %run_scoped3A_405 = tpu.sem_alloc : memref<!tpu.dma_semaphore, #tpu.memory_space<semaphore_mem>>
        %dma_start3A_406 = arith.constant 0 : i32
        %dma_start3A_407 = arith.constant 0 : i32
        %dma_start3A_408 = tpu.memref_slice %arg6[%rem3A_382, %dma_start3A_406, %dma_start3A_407] : memref<4x64x128xf32, #tpu.memory_space<vmem>> -> memref<1x64x128xf32, #tpu.memory_space<vmem>>
        %dma_start3A_409 = tpu.memref_squeeze %dma_start3A_408 : memref<1x64x128xf32, #tpu.memory_space<vmem>> -> memref<64x128xf32, #tpu.memory_space<vmem>>
        %dma_start3A_410 = arith.constant 0 : i32
        %dma_start3A_411 = tpu.memref_slice %arg5[%rem3A_384, %run_scoped3A, %dma_start3A_410] : memref<16x2x64xi32, #tpu.memory_space<vmem>> -> memref<1x1x64xi32, #tpu.memory_space<vmem>>
        %dma_start3A_412 = tpu.memref_squeeze %dma_start3A_411 : memref<1x1x64xi32, #tpu.memory_space<vmem>> -> memref<64xi32, #tpu.memory_space<vmem>>
        %dma_start3A_413 = arith.constant 0 : i32
        %dma_start3A_414 = arith.constant 0 : i32
        %dma_start3A_415 = tpu.memref_slice %arg7[%dma_start3A_413, %dma_start3A_414] : memref<10240x128xf32, #tpu.memory_space<vmem_shared>> -> memref<10240x128xf32, #tpu.memory_space<vmem_shared>>
        tpu.enqueue_indirect_dma source(%dma_start3A_409 : memref<64x128xf32, #tpu.memory_space<vmem>>) target(%dma_start3A_415 : memref<10240x128xf32, #tpu.memory_space<vmem_shared>>) offsets(%dma_start3A_412 : memref<64xi32, #tpu.memory_space<vmem>>) semaphore(%run_scoped3A_405 : memref<!tpu.dma_semaphore, #tpu.memory_space<semaphore_mem>>) {add = true}
        %dma_wait3A_416 = arith.constant 0 : i32
        %dma_wait3A_417 = arith.constant 0 : i32
        %dma_wait3A_418 = tpu.memref_slice %arg6[%rem3A_382, %dma_wait3A_416, %dma_wait3A_417] : memref<4x64x128xf32, #tpu.memory_space<vmem>> -> memref<1x64x128xf32, #tpu.memory_space<vmem>>
        %dma_wait3A_419 = tpu.memref_squeeze %dma_wait3A_418 : memref<1x64x128xf32, #tpu.memory_space<vmem>> -> memref<64x128xf32, #tpu.memory_space<vmem>>
        %dma_wait3A_420 = arith.constant 0 : i32
        %dma_wait3A_421 = tpu.memref_slice %arg5[%rem3A_384, %run_scoped3A, %dma_wait3A_420] : memref<16x2x64xi32, #tpu.memory_space<vmem>> -> memref<1x1x64xi32, #tpu.memory_space<vmem>>
        %dma_wait3A_422 = tpu.memref_squeeze %dma_wait3A_421 : memref<1x1x64xi32, #tpu.memory_space<vmem>> -> memref<64xi32, #tpu.memory_space<vmem>>
        %dma_wait3A_423 = arith.constant 0 : i32
        %dma_wait3A_424 = arith.constant 0 : i32
        %dma_wait3A_425 = tpu.memref_slice %arg7[%dma_wait3A_423, %dma_wait3A_424] : memref<10240x128xf32, #tpu.memory_space<vmem_shared>> -> memref<10240x128xf32, #tpu.memory_space<vmem_shared>>
        tpu.wait_indirect_dma semaphore(%run_scoped3A_405 : memref<!tpu.dma_semaphore, #tpu.memory_space<semaphore_mem>>) src(%dma_wait3A_419 : memref<64x128xf32, #tpu.memory_space<vmem>>) dst(%dma_wait3A_425 : memref<10240x128xf32, #tpu.memory_space<vmem_shared>>)
        tpu.yield
      }) : () -> ()
      %add3A_396 = arith.constant 4 : i32
      %add3A_397 = arith.addi %while3A_381, %add3A_396 : i32
      %lt3A = arith.cmpi slt, %add3A_397, %select_n3A : i32
      %convert_element_type3A = arith.extui %lt3A : i1 to i32
      %cond3A = arith.constant 0 : i32
      %cond3A_398 = arith.cmpi ne, %convert_element_type3A, %cond3A : i32
      scf.if %cond3A_398 {
        %add3A_405 = arith.constant 4 : i32
        %add3A_406 = arith.addi %while3A_381, %add3A_405 : i32
        %rem3A_407 = arith.constant 16 : i32
        %rem3A_408 = arith.remsi %add3A_406, %rem3A_407 : i32
        %add3A_409 = arith.addi %select_n3A_8, %while3A_381 : i32
        %add3A_410 = arith.constant 4 : i32
        %add3A_411 = arith.addi %add3A_409, %add3A_410 : i32
        %dma_wait3A_412 = arith.constant 0 : i32
        %dma_wait3A_413 = arith.constant 0 : i32
        %dma_wait3A_414 = tpu.memref_slice %arg5[%rem3A_408, %dma_wait3A_412, %dma_wait3A_413] : memref<16x2x64xi32, #tpu.memory_space<vmem>> -> memref<1x2x64xi32, #tpu.memory_space<vmem>>
        %dma_wait3A_415 = tpu.memref_squeeze %dma_wait3A_414 : memref<1x2x64xi32, #tpu.memory_space<vmem>> -> memref<2x64xi32, #tpu.memory_space<vmem>>
        %dma_wait3A_416 = arith.constant 0 : i32
        %dma_wait3A_417 = arith.constant 0 : i32
        %dma_wait3A_418 = tpu.memref_slice %arg3[%add3A_411, %dma_wait3A_416, %dma_wait3A_417] : memref<5120x2x64xi32, #tpu.memory_space<hbm>> -> memref<1x2x64xi32, #tpu.memory_space<hbm>>
        %dma_wait3A_419 = tpu.memref_squeeze %dma_wait3A_418 : memref<1x2x64xi32, #tpu.memory_space<hbm>> -> memref<2x64xi32, #tpu.memory_space<hbm>>
        %dma_wait3A_420 = arith.constant 0 : i32
        %dma_wait3A_421 = arith.constant 0 : i32
        %dma_wait3A_422 = tpu.memref_slice %arg5[%rem3A_408, %dma_wait3A_420, %dma_wait3A_421] : memref<16x2x64xi32, #tpu.memory_space<vmem>> -> memref<1x2x64xi32, #tpu.memory_space<vmem>>
        %dma_wait3A_423 = tpu.memref_squeeze %dma_wait3A_422 : memref<1x2x64xi32, #tpu.memory_space<vmem>> -> memref<2x64xi32, #tpu.memory_space<vmem>>
        %dma_wait3A_424 = arith.constant 0 : i32
        %dma_wait3A_425 = arith.constant 0 : i32
        %dma_wait3A_426 = tpu.memref_slice %arg3[%add3A_411, %dma_wait3A_424, %dma_wait3A_425] : memref<5120x2x64xi32, #tpu.memory_space<hbm>> -> memref<1x2x64xi32, #tpu.memory_space<hbm>>
        %dma_wait3A_427 = tpu.memref_squeeze %dma_wait3A_426 : memref<1x2x64xi32, #tpu.memory_space<hbm>> -> memref<2x64xi32, #tpu.memory_space<hbm>>
        tpu.wait_dma2 semaphore(%arg8 : memref<!tpu.dma_semaphore, #tpu.memory_space<semaphore_mem>>) src(%dma_wait3A_427 : memref<2x64xi32, #tpu.memory_space<hbm>>) dst(%dma_wait3A_423 : memref<2x64xi32, #tpu.memory_space<vmem>>)
        %dma_start3A_428 = arith.constant 0 : i32
        %dma_start3A_429 = arith.constant 0 : i32
        %dma_start3A_430 = arith.constant 0 : i32
        %dma_start3A_431 = tpu.memref_slice %arg6[%rem3A_382, %dma_start3A_429, %dma_start3A_430] : memref<4x64x128xf32, #tpu.memory_space<vmem>> -> memref<1x64x128xf32, #tpu.memory_space<vmem>>
        %dma_start3A_432 = tpu.memref_squeeze %dma_start3A_431 : memref<1x64x128xf32, #tpu.memory_space<vmem>> -> memref<64x128xf32, #tpu.memory_space<vmem>>
        %dma_start3A_433 = arith.constant 0 : i32
        %dma_start3A_434 = tpu.memref_slice %arg5[%rem3A_408, %dma_start3A_428, %dma_start3A_433] : memref<16x2x64xi32, #tpu.memory_space<vmem>> -> memref<1x1x64xi32, #tpu.memory_space<vmem>>
        %dma_start3A_435 = tpu.memref_squeeze %dma_start3A_434 : memref<1x1x64xi32, #tpu.memory_space<vmem>> -> memref<64xi32, #tpu.memory_space<vmem>>
        %dma_start3A_436 = arith.constant 0 : i32
        %dma_start3A_437 = arith.constant 0 : i32
        %dma_start3A_438 = tpu.memref_slice %arg2[%dma_start3A_436, %dma_start3A_437] : memref<10240x128xf32, #tpu.memory_space<hbm>> -> memref<10240x128xf32, #tpu.memory_space<hbm>>
        tpu.enqueue_indirect_dma source(%dma_start3A_438 : memref<10240x128xf32, #tpu.memory_space<hbm>>) target(%dma_start3A_432 : memref<64x128xf32, #tpu.memory_space<vmem>>) offsets(%dma_start3A_435 : memref<64xi32, #tpu.memory_space<vmem>>) semaphore(%arg9 : memref<!tpu.dma_semaphore, #tpu.memory_space<semaphore_mem>>)
      } else {
      }
      %add3A_399 = arith.constant 12 : i32
      %add3A_400 = arith.addi %while3A_381, %add3A_399 : i32
      %lt3A_401 = arith.cmpi slt, %add3A_400, %select_n3A : i32
      %convert_element_type3A_402 = arith.extui %lt3A_401 : i1 to i32
      %cond3A_403 = arith.constant 0 : i32
      %cond3A_404 = arith.cmpi ne, %convert_element_type3A_402, %cond3A_403 : i32
      scf.if %cond3A_404 {
        %add3A_405 = arith.constant 12 : i32
        %add3A_406 = arith.addi %while3A_381, %add3A_405 : i32
        %rem3A_407 = arith.constant 16 : i32
        %rem3A_408 = arith.remsi %add3A_406, %rem3A_407 : i32
        %add3A_409 = arith.addi %select_n3A_8, %while3A_381 : i32
        %add3A_410 = arith.constant 12 : i32
        %add3A_411 = arith.addi %add3A_409, %add3A_410 : i32
        %dma_start3A_412 = arith.constant 0 : i32
        %dma_start3A_413 = arith.constant 0 : i32
        %dma_start3A_414 = tpu.memref_slice %arg5[%rem3A_408, %dma_start3A_412, %dma_start3A_413] : memref<16x2x64xi32, #tpu.memory_space<vmem>> -> memref<1x2x64xi32, #tpu.memory_space<vmem>>
        %dma_start3A_415 = tpu.memref_squeeze %dma_start3A_414 : memref<1x2x64xi32, #tpu.memory_space<vmem>> -> memref<2x64xi32, #tpu.memory_space<vmem>>
        %dma_start3A_416 = arith.constant 0 : i32
        %dma_start3A_417 = arith.constant 0 : i32
        %dma_start3A_418 = tpu.memref_slice %arg3[%add3A_411, %dma_start3A_416, %dma_start3A_417] : memref<5120x2x64xi32, #tpu.memory_space<hbm>> -> memref<1x2x64xi32, #tpu.memory_space<hbm>>
        %dma_start3A_419 = tpu.memref_squeeze %dma_start3A_418 : memref<1x2x64xi32, #tpu.memory_space<hbm>> -> memref<2x64xi32, #tpu.memory_space<hbm>>
        %dma_start3A_420 = arith.constant 0 : i32
        %dma_start3A_421 = arith.constant 0 : i32
        %dma_start3A_422 = tpu.memref_slice %arg5[%rem3A_408, %dma_start3A_420, %dma_start3A_421] : memref<16x2x64xi32, #tpu.memory_space<vmem>> -> memref<1x2x64xi32, #tpu.memory_space<vmem>>
        %dma_start3A_423 = tpu.memref_squeeze %dma_start3A_422 : memref<1x2x64xi32, #tpu.memory_space<vmem>> -> memref<2x64xi32, #tpu.memory_space<vmem>>
        %dma_start3A_424 = arith.constant 0 : i32
        %dma_start3A_425 = arith.constant 0 : i32
        %dma_start3A_426 = tpu.memref_slice %arg3[%add3A_411, %dma_start3A_424, %dma_start3A_425] : memref<5120x2x64xi32, #tpu.memory_space<hbm>> -> memref<1x2x64xi32, #tpu.memory_space<hbm>>
        %dma_start3A_427 = tpu.memref_squeeze %dma_start3A_426 : memref<1x2x64xi32, #tpu.memory_space<hbm>> -> memref<2x64xi32, #tpu.memory_space<hbm>>
        tpu.enqueue_dma source(%dma_start3A_427 : memref<2x64xi32, #tpu.memory_space<hbm>>) target(%dma_start3A_423 : memref<2x64xi32, #tpu.memory_space<vmem>>) target_semaphore(%arg8 : memref<!tpu.dma_semaphore, #tpu.memory_space<semaphore_mem>>)
      } else {
      }
    }
    %barrier3A_376 = arith.constant 0 : index
    tpu.barrier barrier_id(%barrier3A_376)
    %mul3A_377 = arith.constant 640 : i32
    %mul3A_378 = arith.muli %arg1, %mul3A_377 : i32
    %mul3A_379 = arith.constant 640 : i32
    %mul3A_380 = arith.muli %arg1, %mul3A_379 : i32
    "tpu.region"() ({
      %run_scoped3A = tpu.sem_alloc : memref<!tpu.dma_semaphore, #tpu.memory_space<semaphore_mem>>
      %dma_start3A_381 = arith.constant 0 : i32
      %dma_start3A_382 = tpu.memref_slice %arg4[%arg0, %mul3A_380, %dma_start3A_381] : memref<2x10240x128xf32, #tpu.memory_space<hbm>> -> memref<1x640x128xf32, #tpu.memory_space<hbm>>
      %dma_start3A_383 = tpu.memref_squeeze %dma_start3A_382 : memref<1x640x128xf32, #tpu.memory_space<hbm>> -> memref<640x128xf32, #tpu.memory_space<hbm>>
      %dma_start3A_384 = arith.constant 0 : i32
      %dma_start3A_385 = tpu.memref_slice %arg7[%mul3A_378, %dma_start3A_384] : memref<10240x128xf32, #tpu.memory_space<vmem_shared>> -> memref<640x128xf32, #tpu.memory_space<vmem_shared>>
      tpu.enqueue_dma source(%dma_start3A_385 : memref<640x128xf32, #tpu.memory_space<vmem_shared>>) target(%dma_start3A_383 : memref<640x128xf32, #tpu.memory_space<hbm>>) target_semaphore(%run_scoped3A : memref<!tpu.dma_semaphore, #tpu.memory_space<semaphore_mem>>)
      %dma_wait3A_386 = arith.constant 0 : i32
      %dma_wait3A_387 = tpu.memref_slice %arg4[%arg0, %mul3A_380, %dma_wait3A_386] : memref<2x10240x128xf32, #tpu.memory_space<hbm>> -> memref<1x640x128xf32, #tpu.memory_space<hbm>>
      %dma_wait3A_388 = tpu.memref_squeeze %dma_wait3A_387 : memref<1x640x128xf32, #tpu.memory_space<hbm>> -> memref<640x128xf32, #tpu.memory_space<hbm>>
      %dma_wait3A_389 = arith.constant 0 : i32
      %dma_wait3A_390 = tpu.memref_slice %arg7[%mul3A_378, %dma_wait3A_389] : memref<10240x128xf32, #tpu.memory_space<vmem_shared>> -> memref<640x128xf32, #tpu.memory_space<vmem_shared>>
      tpu.wait_dma2 semaphore(%run_scoped3A : memref<!tpu.dma_semaphore, #tpu.memory_space<semaphore_mem>>) src(%dma_wait3A_390 : memref<640x128xf32, #tpu.memory_space<vmem_shared>>) dst(%dma_wait3A_388 : memref<640x128xf32, #tpu.memory_space<hbm>>)
      tpu.yield
    }) : () -> ()
    return
  }
}

#map = affine_map<(d0, d1) -> (0)>
#map1 = affine_map<(d0, d1) -> (0, 0)>
#map2 = affine_map<(d0, d1) -> (0, 0, 0)>
module attributes {stable_mosaic.version = 14 : i64} {
  func.func @_deg_body(%arg0: i32, %arg1: i32, %arg2: memref<327680xi32, #tpu.memory_space<hbm>>, %arg3: memref<2x10240xf32, #tpu.memory_space<hbm>>, %arg4: memref<2x16x10240xf32, #tpu.memory_space<hbm>>, %arg5: memref<10240xi32, #tpu.memory_space<vmem>>, %arg6: memref<10240xf32, #tpu.memory_space<vmem>>, %arg7: memref<16x640xf32, #tpu.memory_space<vmem>>, %arg8: memref<640xf32, #tpu.memory_space<vmem>>) attributes {dimension_semantics = [#tpu.dimension_semantics<core_parallel>, #tpu.dimension_semantics<subcore_parallel>], iteration_bounds = array<i64: 2, 16>, scalar_prefetch = 0 : i64, scratch_operands = 4 : i64, tpu.core_type = #tpu.core_type<sc_vector_subcore>, window_params = [{transform_indices = #map}, {transform_indices = #map1}, {transform_indices = #map2}]} {
    %mul3A = arith.constant 16 : i32
    %mul3A_0 = arith.muli %arg0, %mul3A : i32
    %add3A = arith.addi %mul3A_0, %arg1 : i32
    %mul3A_1 = arith.constant 10240 : i32
    %mul3A_2 = arith.muli %add3A, %mul3A_1 : i32
    "tpu.region"() ({
      %run_scoped3A = tpu.sem_alloc : memref<!tpu.dma_semaphore, #tpu.memory_space<semaphore_mem>>
      %dma_start3A = tpu.memref_slice %arg2[%mul3A_2] : memref<327680xi32, #tpu.memory_space<hbm>> -> memref<10240xi32, #tpu.memory_space<hbm>>
      %dma_start3A_27 = tpu.memref_slice %arg2[%mul3A_2] : memref<327680xi32, #tpu.memory_space<hbm>> -> memref<10240xi32, #tpu.memory_space<hbm>>
      tpu.enqueue_dma source(%dma_start3A_27 : memref<10240xi32, #tpu.memory_space<hbm>>) target(%arg5 : memref<10240xi32, #tpu.memory_space<vmem>>) target_semaphore(%run_scoped3A : memref<!tpu.dma_semaphore, #tpu.memory_space<semaphore_mem>>)
      %dma_wait3A = tpu.memref_slice %arg2[%mul3A_2] : memref<327680xi32, #tpu.memory_space<hbm>> -> memref<10240xi32, #tpu.memory_space<hbm>>
      %dma_wait3A_28 = tpu.memref_slice %arg2[%mul3A_2] : memref<327680xi32, #tpu.memory_space<hbm>> -> memref<10240xi32, #tpu.memory_space<hbm>>
      tpu.wait_dma2 semaphore(%run_scoped3A : memref<!tpu.dma_semaphore, #tpu.memory_space<semaphore_mem>>) src(%dma_wait3A_28 : memref<10240xi32, #tpu.memory_space<hbm>>) dst(%arg5 : memref<10240xi32, #tpu.memory_space<vmem>>)
      tpu.yield
    }) : () -> ()
    %broadcast_in_dim3A = arith.constant 0.000000e+00 : f32
    %broadcast_in_dim3A_3 = vector.broadcast %broadcast_in_dim3A : f32 to vector<16xf32>
    %broadcast_in_dim3A_4 = arith.constant 1.000000e+00 : f32
    %broadcast_in_dim3A_5 = vector.broadcast %broadcast_in_dim3A_4 : f32 to vector<16xf32>
    %scan3A = arith.constant 0 : i32
    %scan3A_6 = arith.constant 0 : i32
    %scan3A_7 = arith.constant 640 : i32
    %scan3A_8 = arith.addi %scan3A_6, %scan3A_7 : i32
    %scan3A_9 = arith.constant 1 : i32
    scf.for %scan3A_27 = %scan3A_6 to %scan3A_8 step %scan3A_9  : i32 {
      %mul3A_28 = arith.constant 16 : i32
      %mul3A_29 = arith.muli %scan3A_27, %mul3A_28 : i32
      %swap3A = arith.index_cast %mul3A_29 : i32 to index
      %swap3A_30 = tpu.vector_load %arg6[%swap3A] {strides = array<i32>} : memref<10240xf32, #tpu.memory_space<vmem>>, vector<16xf32>,
      tpu.vector_store %arg6[%swap3A], %broadcast_in_dim3A_3 {strides = array<i32>} : memref<10240xf32, #tpu.memory_space<vmem>>, vector<16xf32>,
    }
    %scan3A_10 = arith.constant 640 : i32
    %scan3A_11 = arith.constant 0 : i32
    %scan3A_12 = arith.constant 0 : i32
    %scan3A_13 = arith.constant 640 : i32
    %scan3A_14 = arith.addi %scan3A_12, %scan3A_13 : i32
    %scan3A_15 = arith.constant 1 : i32
    scf.for %scan3A_27 = %scan3A_12 to %scan3A_14 step %scan3A_15  : i32 {
      %mul3A_28 = arith.constant 16 : i32
      %mul3A_29 = arith.muli %scan3A_27, %mul3A_28 : i32
      %get3A = arith.index_cast %mul3A_29 : i32 to index
      %get3A_30 = tpu.vector_load %arg5[%get3A] {strides = array<i32>} : memref<10240xi32, #tpu.memory_space<vmem>>, vector<16xi32>,
      tpu.vector_store_idx %arg6[%get3A_30], %broadcast_in_dim3A_5 {add = true} : memref<10240xf32, #tpu.memory_space<vmem>>[vector<16xi32>], vector<16xf32>,
    }
    %scan3A_16 = arith.constant 640 : i32
    "tpu.region"() ({
      %run_scoped3A = tpu.sem_alloc : memref<!tpu.dma_semaphore, #tpu.memory_space<semaphore_mem>>
      %dma_start3A = arith.constant 0 : i32
      %dma_start3A_27 = tpu.memref_slice %arg4[%arg0, %arg1, %dma_start3A] : memref<2x16x10240xf32, #tpu.memory_space<hbm>> -> memref<1x1x10240xf32, #tpu.memory_space<hbm>>
      %dma_start3A_28 = tpu.memref_squeeze %dma_start3A_27 : memref<1x1x10240xf32, #tpu.memory_space<hbm>> -> memref<10240xf32, #tpu.memory_space<hbm>>
      %dma_start3A_29 = arith.constant 0 : i32
      %dma_start3A_30 = tpu.memref_slice %arg4[%arg0, %arg1, %dma_start3A_29] : memref<2x16x10240xf32, #tpu.memory_space<hbm>> -> memref<1x1x10240xf32, #tpu.memory_space<hbm>>
      %dma_start3A_31 = tpu.memref_squeeze %dma_start3A_30 : memref<1x1x10240xf32, #tpu.memory_space<hbm>> -> memref<10240xf32, #tpu.memory_space<hbm>>
      tpu.enqueue_dma source(%arg6 : memref<10240xf32, #tpu.memory_space<vmem>>) target(%dma_start3A_31 : memref<10240xf32, #tpu.memory_space<hbm>>) target_semaphore(%run_scoped3A : memref<!tpu.dma_semaphore, #tpu.memory_space<semaphore_mem>>)
      %dma_wait3A = arith.constant 0 : i32
      %dma_wait3A_32 = tpu.memref_slice %arg4[%arg0, %arg1, %dma_wait3A] : memref<2x16x10240xf32, #tpu.memory_space<hbm>> -> memref<1x1x10240xf32, #tpu.memory_space<hbm>>
      %dma_wait3A_33 = tpu.memref_squeeze %dma_wait3A_32 : memref<1x1x10240xf32, #tpu.memory_space<hbm>> -> memref<10240xf32, #tpu.memory_space<hbm>>
      %dma_wait3A_34 = arith.constant 0 : i32
      %dma_wait3A_35 = tpu.memref_slice %arg4[%arg0, %arg1, %dma_wait3A_34] : memref<2x16x10240xf32, #tpu.memory_space<hbm>> -> memref<1x1x10240xf32, #tpu.memory_space<hbm>>
      %dma_wait3A_36 = tpu.memref_squeeze %dma_wait3A_35 : memref<1x1x10240xf32, #tpu.memory_space<hbm>> -> memref<10240xf32, #tpu.memory_space<hbm>>
      tpu.wait_dma2 semaphore(%run_scoped3A : memref<!tpu.dma_semaphore, #tpu.memory_space<semaphore_mem>>) src(%arg6 : memref<10240xf32, #tpu.memory_space<vmem>>) dst(%dma_wait3A_36 : memref<10240xf32, #tpu.memory_space<hbm>>)
      tpu.yield
    }) : () -> ()
    %barrier3A = arith.constant 0 : index
    tpu.barrier barrier_id(%barrier3A)
    %mul3A_17 = arith.constant 640 : i32
    %mul3A_18 = arith.muli %arg1, %mul3A_17 : i32
    "tpu.region"() ({
      %run_scoped3A = tpu.sem_alloc : memref<!tpu.dma_semaphore, #tpu.memory_space<semaphore_mem>>
      %dma_start3A = arith.constant 0 : i32
      %dma_start3A_27 = tpu.memref_slice %arg4[%arg0, %dma_start3A, %mul3A_18] : memref<2x16x10240xf32, #tpu.memory_space<hbm>> -> memref<1x16x640xf32, #tpu.memory_space<hbm>>
      %dma_start3A_28 = tpu.memref_squeeze %dma_start3A_27 : memref<1x16x640xf32, #tpu.memory_space<hbm>> -> memref<16x640xf32, #tpu.memory_space<hbm>>
      %dma_start3A_29 = arith.constant 0 : i32
      %dma_start3A_30 = tpu.memref_slice %arg4[%arg0, %dma_start3A_29, %mul3A_18] : memref<2x16x10240xf32, #tpu.memory_space<hbm>> -> memref<1x16x640xf32, #tpu.memory_space<hbm>>
      %dma_start3A_31 = tpu.memref_squeeze %dma_start3A_30 : memref<1x16x640xf32, #tpu.memory_space<hbm>> -> memref<16x640xf32, #tpu.memory_space<hbm>>
      tpu.enqueue_dma source(%dma_start3A_31 : memref<16x640xf32, #tpu.memory_space<hbm>>) target(%arg7 : memref<16x640xf32, #tpu.memory_space<vmem>>) target_semaphore(%run_scoped3A : memref<!tpu.dma_semaphore, #tpu.memory_space<semaphore_mem>>)
      %dma_wait3A = arith.constant 0 : i32
      %dma_wait3A_32 = tpu.memref_slice %arg4[%arg0, %dma_wait3A, %mul3A_18] : memref<2x16x10240xf32, #tpu.memory_space<hbm>> -> memref<1x16x640xf32, #tpu.memory_space<hbm>>
      %dma_wait3A_33 = tpu.memref_squeeze %dma_wait3A_32 : memref<1x16x640xf32, #tpu.memory_space<hbm>> -> memref<16x640xf32, #tpu.memory_space<hbm>>
      %dma_wait3A_34 = arith.constant 0 : i32
      %dma_wait3A_35 = tpu.memref_slice %arg4[%arg0, %dma_wait3A_34, %mul3A_18] : memref<2x16x10240xf32, #tpu.memory_space<hbm>> -> memref<1x16x640xf32, #tpu.memory_space<hbm>>
      %dma_wait3A_36 = tpu.memref_squeeze %dma_wait3A_35 : memref<1x16x640xf32, #tpu.memory_space<hbm>> -> memref<16x640xf32, #tpu.memory_space<hbm>>
      tpu.wait_dma2 semaphore(%run_scoped3A : memref<!tpu.dma_semaphore, #tpu.memory_space<semaphore_mem>>) src(%dma_wait3A_36 : memref<16x640xf32, #tpu.memory_space<hbm>>) dst(%arg7 : memref<16x640xf32, #tpu.memory_space<vmem>>)
      tpu.yield
    }) : () -> ()
    %scan3A_19 = arith.constant 0 : i32
    %scan3A_20 = arith.constant 0 : i32
    %scan3A_21 = arith.constant 40 : i32
    %scan3A_22 = arith.addi %scan3A_20, %scan3A_21 : i32
    %scan3A_23 = arith.constant 1 : i32
    scf.for %scan3A_27 = %scan3A_20 to %scan3A_22 step %scan3A_23  : i32 {
      %mul3A_28 = arith.constant 16 : i32
      %mul3A_29 = arith.muli %scan3A_27, %mul3A_28 : i32
      %get3A = arith.constant 0 : i32
      %get3A_30 = arith.index_cast %get3A : i32 to index
      %get3A_31 = arith.index_cast %mul3A_29 : i32 to index
      %get3A_32 = tpu.vector_load %arg7[%get3A_30, %get3A_31] {strides = array<i32>} : memref<16x640xf32, #tpu.memory_space<vmem>>, vector<16xf32>,
      %get3A_33 = arith.constant 1 : i32
      %get3A_34 = arith.index_cast %get3A_33 : i32 to index
      %get3A_35 = arith.index_cast %mul3A_29 : i32 to index
      %get3A_36 = tpu.vector_load %arg7[%get3A_34, %get3A_35] {strides = array<i32>} : memref<16x640xf32, #tpu.memory_space<vmem>>, vector<16xf32>,
      %add3A_37 = arith.addf %get3A_32, %get3A_36 : vector<16xf32>
      %get3A_38 = arith.constant 2 : i32
      %get3A_39 = arith.index_cast %get3A_38 : i32 to index
      %get3A_40 = arith.index_cast %mul3A_29 : i32 to index
      %get3A_41 = tpu.vector_load %arg7[%get3A_39, %get3A_40] {strides = array<i32>} : memref<16x640xf32, #tpu.memory_space<vmem>>, vector<16xf32>,
      %add3A_42 = arith.addf %add3A_37, %get3A_41 : vector<16xf32>
      %get3A_43 = arith.constant 3 : i32
      %get3A_44 = arith.index_cast %get3A_43 : i32 to index
      %get3A_45 = arith.index_cast %mul3A_29 : i32 to index
      %get3A_46 = tpu.vector_load %arg7[%get3A_44, %get3A_45] {strides = array<i32>} : memref<16x640xf32, #tpu.memory_space<vmem>>, vector<16xf32>,
      %add3A_47 = arith.addf %add3A_42, %get3A_46 : vector<16xf32>
      %get3A_48 = arith.constant 4 : i32
      %get3A_49 = arith.index_cast %get3A_48 : i32 to index
      %get3A_50 = arith.index_cast %mul3A_29 : i32 to index
      %get3A_51 = tpu.vector_load %arg7[%get3A_49, %get3A_50] {strides = array<i32>} : memref<16x640xf32, #tpu.memory_space<vmem>>, vector<16xf32>,
      %add3A_52 = arith.addf %add3A_47, %get3A_51 : vector<16xf32>
      %get3A_53 = arith.constant 5 : i32
      %get3A_54 = arith.index_cast %get3A_53 : i32 to index
      %get3A_55 = arith.index_cast %mul3A_29 : i32 to index
      %get3A_56 = tpu.vector_load %arg7[%get3A_54, %get3A_55] {strides = array<i32>} : memref<16x640xf32, #tpu.memory_space<vmem>>, vector<16xf32>,
      %add3A_57 = arith.addf %add3A_52, %get3A_56 : vector<16xf32>
      %get3A_58 = arith.constant 6 : i32
      %get3A_59 = arith.index_cast %get3A_58 : i32 to index
      %get3A_60 = arith.index_cast %mul3A_29 : i32 to index
      %get3A_61 = tpu.vector_load %arg7[%get3A_59, %get3A_60] {strides = array<i32>} : memref<16x640xf32, #tpu.memory_space<vmem>>, vector<16xf32>,
      %add3A_62 = arith.addf %add3A_57, %get3A_61 : vector<16xf32>
      %get3A_63 = arith.constant 7 : i32
      %get3A_64 = arith.index_cast %get3A_63 : i32 to index
      %get3A_65 = arith.index_cast %mul3A_29 : i32 to index
      %get3A_66 = tpu.vector_load %arg7[%get3A_64, %get3A_65] {strides = array<i32>} : memref<16x640xf32, #tpu.memory_space<vmem>>, vector<16xf32>,
      %add3A_67 = arith.addf %add3A_62, %get3A_66 : vector<16xf32>
      %get3A_68 = arith.constant 8 : i32
      %get3A_69 = arith.index_cast %get3A_68 : i32 to index
      %get3A_70 = arith.index_cast %mul3A_29 : i32 to index
      %get3A_71 = tpu.vector_load %arg7[%get3A_69, %get3A_70] {strides = array<i32>} : memref<16x640xf32, #tpu.memory_space<vmem>>, vector<16xf32>,
      %add3A_72 = arith.addf %add3A_67, %get3A_71 : vector<16xf32>
      %get3A_73 = arith.constant 9 : i32
      %get3A_74 = arith.index_cast %get3A_73 : i32 to index
      %get3A_75 = arith.index_cast %mul3A_29 : i32 to index
      %get3A_76 = tpu.vector_load %arg7[%get3A_74, %get3A_75] {strides = array<i32>} : memref<16x640xf32, #tpu.memory_space<vmem>>, vector<16xf32>,
      %add3A_77 = arith.addf %add3A_72, %get3A_76 : vector<16xf32>
      %get3A_78 = arith.constant 10 : i32
      %get3A_79 = arith.index_cast %get3A_78 : i32 to index
      %get3A_80 = arith.index_cast %mul3A_29 : i32 to index
      %get3A_81 = tpu.vector_load %arg7[%get3A_79, %get3A_80] {strides = array<i32>} : memref<16x640xf32, #tpu.memory_space<vmem>>, vector<16xf32>,
      %add3A_82 = arith.addf %add3A_77, %get3A_81 : vector<16xf32>
      %get3A_83 = arith.constant 11 : i32
      %get3A_84 = arith.index_cast %get3A_83 : i32 to index
      %get3A_85 = arith.index_cast %mul3A_29 : i32 to index
      %get3A_86 = tpu.vector_load %arg7[%get3A_84, %get3A_85] {strides = array<i32>} : memref<16x640xf32, #tpu.memory_space<vmem>>, vector<16xf32>,
      %add3A_87 = arith.addf %add3A_82, %get3A_86 : vector<16xf32>
      %get3A_88 = arith.constant 12 : i32
      %get3A_89 = arith.index_cast %get3A_88 : i32 to index
      %get3A_90 = arith.index_cast %mul3A_29 : i32 to index
      %get3A_91 = tpu.vector_load %arg7[%get3A_89, %get3A_90] {strides = array<i32>} : memref<16x640xf32, #tpu.memory_space<vmem>>, vector<16xf32>,
      %add3A_92 = arith.addf %add3A_87, %get3A_91 : vector<16xf32>
      %get3A_93 = arith.constant 13 : i32
      %get3A_94 = arith.index_cast %get3A_93 : i32 to index
      %get3A_95 = arith.index_cast %mul3A_29 : i32 to index
      %get3A_96 = tpu.vector_load %arg7[%get3A_94, %get3A_95] {strides = array<i32>} : memref<16x640xf32, #tpu.memory_space<vmem>>, vector<16xf32>,
      %add3A_97 = arith.addf %add3A_92, %get3A_96 : vector<16xf32>
      %get3A_98 = arith.constant 14 : i32
      %get3A_99 = arith.index_cast %get3A_98 : i32 to index
      %get3A_100 = arith.index_cast %mul3A_29 : i32 to index
      %get3A_101 = tpu.vector_load %arg7[%get3A_99, %get3A_100] {strides = array<i32>} : memref<16x640xf32, #tpu.memory_space<vmem>>, vector<16xf32>,
      %add3A_102 = arith.addf %add3A_97, %get3A_101 : vector<16xf32>
      %get3A_103 = arith.constant 15 : i32
      %get3A_104 = arith.index_cast %get3A_103 : i32 to index
      %get3A_105 = arith.index_cast %mul3A_29 : i32 to index
      %get3A_106 = tpu.vector_load %arg7[%get3A_104, %get3A_105] {strides = array<i32>} : memref<16x640xf32, #tpu.memory_space<vmem>>, vector<16xf32>,
      %add3A_107 = arith.addf %add3A_102, %get3A_106 : vector<16xf32>
      %swap3A = arith.index_cast %mul3A_29 : i32 to index
      %swap3A_108 = tpu.vector_load %arg8[%swap3A] {strides = array<i32>} : memref<640xf32, #tpu.memory_space<vmem>>, vector<16xf32>,
      tpu.vector_store %arg8[%swap3A], %add3A_107 {strides = array<i32>} : memref<640xf32, #tpu.memory_space<vmem>>, vector<16xf32>,
    }
    %scan3A_24 = arith.constant 40 : i32
    %mul3A_25 = arith.constant 640 : i32
    %mul3A_26 = arith.muli %arg1, %mul3A_25 : i32
    "tpu.region"() ({
      %run_scoped3A = tpu.sem_alloc : memref<!tpu.dma_semaphore, #tpu.memory_space<semaphore_mem>>
      %dma_start3A = tpu.memref_slice %arg3[%arg0, %mul3A_26] : memref<2x10240xf32, #tpu.memory_space<hbm>> -> memref<1x640xf32, #tpu.memory_space<hbm>>
      %dma_start3A_27 = tpu.memref_squeeze %dma_start3A : memref<1x640xf32, #tpu.memory_space<hbm>> -> memref<640xf32, #tpu.memory_space<hbm>>
      %dma_start3A_28 = tpu.memref_slice %arg3[%arg0, %mul3A_26] : memref<2x10240xf32, #tpu.memory_space<hbm>> -> memref<1x640xf32, #tpu.memory_space<hbm>>
      %dma_start3A_29 = tpu.memref_squeeze %dma_start3A_28 : memref<1x640xf32, #tpu.memory_space<hbm>> -> memref<640xf32, #tpu.memory_space<hbm>>
      tpu.enqueue_dma source(%arg8 : memref<640xf32, #tpu.memory_space<vmem>>) target(%dma_start3A_29 : memref<640xf32, #tpu.memory_space<hbm>>) target_semaphore(%run_scoped3A : memref<!tpu.dma_semaphore, #tpu.memory_space<semaphore_mem>>)
      %dma_wait3A = tpu.memref_slice %arg3[%arg0, %mul3A_26] : memref<2x10240xf32, #tpu.memory_space<hbm>> -> memref<1x640xf32, #tpu.memory_space<hbm>>
      %dma_wait3A_30 = tpu.memref_squeeze %dma_wait3A : memref<1x640xf32, #tpu.memory_space<hbm>> -> memref<640xf32, #tpu.memory_space<hbm>>
      %dma_wait3A_31 = tpu.memref_slice %arg3[%arg0, %mul3A_26] : memref<2x10240xf32, #tpu.memory_space<hbm>> -> memref<1x640xf32, #tpu.memory_space<hbm>>
      %dma_wait3A_32 = tpu.memref_squeeze %dma_wait3A_31 : memref<1x640xf32, #tpu.memory_space<hbm>> -> memref<640xf32, #tpu.memory_space<hbm>>
      tpu.wait_dma2 semaphore(%run_scoped3A : memref<!tpu.dma_semaphore, #tpu.memory_space<semaphore_mem>>) src(%arg8 : memref<640xf32, #tpu.memory_space<vmem>>) dst(%dma_wait3A_32 : memref<640xf32, #tpu.memory_space<hbm>>)
      tpu.yield
    }) : () -> ()
    return
  }
}

module attributes {stable_mosaic.version = 14 : i64} {
  func.func @_mm_body(%arg0: i32, %arg1: memref<1024x128xf32, #tpu.memory_space<vmem>>, %arg2: memref<128x128xf32, #tpu.memory_space<vmem>>, %arg3: memref<2x1024xf32, #tpu.memory_space<vmem>>, %arg4: memref<1024x128xf32, #tpu.memory_space<vmem>>) attributes {dimension_semantics = [#tpu.dimension_semantics<arbitrary>], iteration_bounds = array<i64: 10>, scalar_prefetch = 0 : i64, scratch_operands = 0 : i64, tpu.core_type = #tpu.core_type<tc>, window_params = [{transform_indices = @transform_0, window_bounds = array<i64: 1024, 128>}, {pipeline_mode = #tpu.pipeline_mode<synchronous>, transform_indices = @transform_1, window_bounds = array<i64: 128, 128>}, {transform_indices = @transform_2, window_bounds = array<i64: 2, 1024>}, {transform_indices = @transform_3, window_bounds = array<i64: 1024, 128>}]} {
    %get3A = arith.constant 0 : index
    %get3A_0 = arith.constant 0 : index
    %get3A_1 = vector.load %arg3[%get3A, %get3A_0] : memref<2x1024xf32, #tpu.memory_space<vmem>>, vector<1x1024xf32>
    %get3A_2 = vector.shape_cast %get3A_1 : vector<1x1024xf32> to vector<1024xf32>
    %get3A_3 = arith.constant 1 : index
    %get3A_4 = arith.constant 0 : index
    %get3A_5 = vector.load %arg3[%get3A_3, %get3A_4] : memref<2x1024xf32, #tpu.memory_space<vmem>>, vector<1x1024xf32>
    %get3A_6 = vector.shape_cast %get3A_5 : vector<1x1024xf32> to vector<1024xf32>
    %add3A = arith.addf %get3A_2, %get3A_6 : vector<1024xf32>
    %add3A_7 = arith.constant 1.000000e+00 : f32
    %add3A_8 = vector.broadcast %add3A_7 : f32 to vector<1024xf32>
    %add3A_9 = arith.addf %add3A, %add3A_8 : vector<1024xf32>
    %rsqrt3A = math.rsqrt %add3A_9 : vector<1024xf32>
    %broadcast_in_dim3A = vector.shape_cast %rsqrt3A : vector<1024xf32> to vector<1024x1xf32>
    %get3A_10 = arith.constant 0 : index
    %get3A_11 = arith.constant 0 : index
    %get3A_12 = vector.load %arg1[%get3A_10, %get3A_11] : memref<1024x128xf32, #tpu.memory_space<vmem>>, vector<1024x128xf32>
    %get3A_13 = arith.constant 0 : index
    %get3A_14 = arith.constant 0 : index
    %get3A_15 = vector.load %arg2[%get3A_13, %get3A_14] : memref<128x128xf32, #tpu.memory_space<vmem>>, vector<128x128xf32>
    %dot_general3A = arith.constant dense<0.000000e+00> : vector<1024x128xf32>
    %dot_general3A_16 = tpu.matmul %get3A_12, %get3A_15, %dot_general3A {dimension_numbers = #tpu.dot_dimension_numbers<[1], [0], [0], [1], [0, 0, 1, 1], [], []>, transpose_lhs_hint = false} : vector<1024x128xf32>, vector<128x128xf32>, vector<1024x128xf32> -> vector<1024x128xf32>
    %mul3A = vector.broadcast %broadcast_in_dim3A : vector<1024x1xf32> to vector<1024x128xf32>
    %mul3A_17 = arith.mulf %dot_general3A_16, %mul3A : vector<1024x128xf32>
    %swap3A = arith.constant 0 : index
    %swap3A_18 = arith.constant 0 : index
    %swap3A_19 = vector.load %arg4[%swap3A, %swap3A_18] : memref<1024x128xf32, #tpu.memory_space<vmem>>, vector<1024x128xf32>
    tpu.vector_store %arg4[%swap3A, %swap3A_18], %mul3A_17 {strides = array<i32>} : memref<1024x128xf32, #tpu.memory_space<vmem>>, vector<1024x128xf32>,
    return
  }
  func.func @transform_0(%arg0: i32) -> (i32, i32) {
    %c0_i32 = arith.constant 0 : i32
    %c0_i32_0 = arith.constant 0 : i32
    return %arg0, %c0_i32 : i32, i32
  }
  func.func @transform_1(%arg0: i32) -> (i32, i32) {
    %c0_i32 = arith.constant 0 : i32
    %c0_i32_0 = arith.constant 0 : i32
    %c0_i32_1 = arith.constant 0 : i32
    return %c0_i32, %c0_i32_0 : i32, i32
  }
  func.func @transform_2(%arg0: i32) -> (i32, i32) {
    %c0_i32 = arith.constant 0 : i32
    %c0_i32_0 = arith.constant 0 : i32
    return %c0_i32, %arg0 : i32, i32
  }
  func.func @transform_3(%arg0: i32) -> (i32, i32) {
    %c0_i32 = arith.constant 0 : i32
    %c0_i32_0 = arith.constant 0 : i32
    return %arg0, %c0_i32 : i32, i32
  }
}

module attributes {stable_mosaic.version = 14 : i64} {
  func.func @_fin_body(%arg0: i32, %arg1: memref<2x1024x128xf32, #tpu.memory_space<vmem>>, %arg2: memref<1024x128xf32, #tpu.memory_space<vmem>>, %arg3: memref<2x1024xf32, #tpu.memory_space<vmem>>, %arg4: memref<1x128xf32, #tpu.memory_space<vmem>>, %arg5: memref<1024x128xf32, #tpu.memory_space<vmem>>) attributes {dimension_semantics = [#tpu.dimension_semantics<arbitrary>], iteration_bounds = array<i64: 10>, scalar_prefetch = 0 : i64, scratch_operands = 0 : i64, tpu.core_type = #tpu.core_type<tc>, window_params = [{transform_indices = @transform_0, window_bounds = array<i64: 2, 1024, 128>}, {transform_indices = @transform_1, window_bounds = array<i64: 1024, 128>}, {transform_indices = @transform_2, window_bounds = array<i64: 2, 1024>}, {pipeline_mode = #tpu.pipeline_mode<synchronous>, transform_indices = @transform_3, window_bounds = array<i64: 1, 128>}, {transform_indices = @transform_4, window_bounds = array<i64: 1024, 128>}]} {
    %get3A = arith.constant 0 : index
    %get3A_0 = arith.constant 0 : index
    %get3A_1 = vector.load %arg3[%get3A, %get3A_0] : memref<2x1024xf32, #tpu.memory_space<vmem>>, vector<1x1024xf32>
    %get3A_2 = vector.shape_cast %get3A_1 : vector<1x1024xf32> to vector<1024xf32>
    %get3A_3 = arith.constant 1 : index
    %get3A_4 = arith.constant 0 : index
    %get3A_5 = vector.load %arg3[%get3A_3, %get3A_4] : memref<2x1024xf32, #tpu.memory_space<vmem>>, vector<1x1024xf32>
    %get3A_6 = vector.shape_cast %get3A_5 : vector<1x1024xf32> to vector<1024xf32>
    %add3A = arith.addf %get3A_2, %get3A_6 : vector<1024xf32>
    %add3A_7 = arith.constant 1.000000e+00 : f32
    %add3A_8 = vector.broadcast %add3A_7 : f32 to vector<1024xf32>
    %add3A_9 = arith.addf %add3A, %add3A_8 : vector<1024xf32>
    %rsqrt3A = math.rsqrt %add3A_9 : vector<1024xf32>
    %broadcast_in_dim3A = vector.shape_cast %rsqrt3A : vector<1024xf32> to vector<1024x1xf32>
    %get3A_10 = arith.constant 0 : index
    %get3A_11 = arith.constant 0 : index
    %get3A_12 = arith.constant 0 : index
    %get3A_13 = vector.load %arg1[%get3A_10, %get3A_11, %get3A_12] : memref<2x1024x128xf32, #tpu.memory_space<vmem>>, vector<1x1024x128xf32>
    %get3A_14 = vector.shape_cast %get3A_13 : vector<1x1024x128xf32> to vector<1024x128xf32>
    %get3A_15 = arith.constant 1 : index
    %get3A_16 = arith.constant 0 : index
    %get3A_17 = arith.constant 0 : index
    %get3A_18 = vector.load %arg1[%get3A_15, %get3A_16, %get3A_17] : memref<2x1024x128xf32, #tpu.memory_space<vmem>>, vector<1x1024x128xf32>
    %get3A_19 = vector.shape_cast %get3A_18 : vector<1x1024x128xf32> to vector<1024x128xf32>
    %add3A_20 = arith.addf %get3A_14, %get3A_19 : vector<1024x128xf32>
    %get3A_21 = arith.constant 0 : index
    %get3A_22 = arith.constant 0 : index
    %get3A_23 = vector.load %arg2[%get3A_21, %get3A_22] : memref<1024x128xf32, #tpu.memory_space<vmem>>, vector<1024x128xf32>
    %sub3A = arith.subf %add3A_20, %get3A_23 : vector<1024x128xf32>
    %mul3A = vector.broadcast %broadcast_in_dim3A : vector<1024x1xf32> to vector<1024x128xf32>
    %mul3A_24 = arith.mulf %sub3A, %mul3A : vector<1024x128xf32>
    %get3A_25 = arith.constant 0 : index
    %get3A_26 = arith.constant 0 : index
    %get3A_27 = vector.load %arg4[%get3A_25, %get3A_26] : memref<1x128xf32, #tpu.memory_space<vmem>>, vector<1x128xf32>
    %add3A_28 = vector.broadcast %get3A_27 : vector<1x128xf32> to vector<1024x128xf32>
    %add3A_29 = arith.addf %mul3A_24, %add3A_28 : vector<1024x128xf32>
    %swap3A = arith.constant 0 : index
    %swap3A_30 = arith.constant 0 : index
    %swap3A_31 = vector.load %arg5[%swap3A, %swap3A_30] : memref<1024x128xf32, #tpu.memory_space<vmem>>, vector<1024x128xf32>
    tpu.vector_store %arg5[%swap3A, %swap3A_30], %add3A_29 {strides = array<i32>} : memref<1024x128xf32, #tpu.memory_space<vmem>>, vector<1024x128xf32>,
    return
  }
  func.func @transform_0(%arg0: i32) -> (i32, i32, i32) {
    %c0_i32 = arith.constant 0 : i32
    %c0_i32_0 = arith.constant 0 : i32
    %c0_i32_1 = arith.constant 0 : i32
    return %c0_i32, %arg0, %c0_i32_0 : i32, i32, i32
  }
  func.func @transform_1(%arg0: i32) -> (i32, i32) {
    %c0_i32 = arith.constant 0 : i32
    %c0_i32_0 = arith.constant 0 : i32
    return %arg0, %c0_i32 : i32, i32
  }
  func.func @transform_2(%arg0: i32) -> (i32, i32) {
    %c0_i32 = arith.constant 0 : i32
    %c0_i32_0 = arith.constant 0 : i32
    return %c0_i32, %arg0 : i32, i32
  }
  func.func @transform_3(%arg0: i32) -> (i32, i32) {
    %c0_i32 = arith.constant 0 : i32
    %c0_i32_0 = arith.constant 0 : i32
    %c0_i32_1 = arith.constant 0 : i32
    return %c0_i32, %c0_i32_0 : i32, i32
  }
  func.func @transform_4(%arg0: i32) -> (i32, i32) {
    %c0_i32 = arith.constant 0 : i32
    %c0_i32_0 = arith.constant 0 : i32
    return %arg0, %c0_i32 : i32, i32
  }
}

</mosaic_0001>

<sc_bundles>
// kernel: kernel.6.cloned.1.call-start
scs
__scs_entry_jumppad:
0x0: {  	(pc) =	sbr.rel $0x88, $3  }
0x1: {  	(tag) =	ssettag $0x0;
	lr =	simm.s32 $0x1  }
0x2: {  	[smem:$0x3F9D] =	sst lr;
	_ =	strace $0xD0000000  }
0x3: {  	_ = 	snop  }
0x4: {  	_ = 	snop  }
0x5: {  	_ = 	snop  }
0x6: {  	_ = 	snop  }
0x7: {  	_ = 	snop  }
__scs_overlays_trampoline_lowered:
0x8: {  	[smem:$0x3FAC] =	sst s0  }
0x9: {  	[smem:$0x3FAD] =	sst s1  }
0xa: {  	[smem:$0x3FAE] =	sst s2  }
0xb: {  	[smem:$0x3FAF] =	sst s3  }
0xc: {  	[smem:$0x3FB0] =	sst s4  }
0xd: {  	[smem:$0x3FB1] =	sst s5  }
0xe: {  	[smem:$0x3FB2] =	sst s6  }
0xf: {  	[smem:$0x3FB3] =	sst s7  }
0x10: {  	[smem:$0x3FB4] =	sst s8  }
0x11: {  	[smem:$0x3FB5] =	sst s9;
	s0 =	simm.s32 @!p0 $0x0  }
0x12: {  	s1 =	sld [smem:$0x3F9B];
	s0 =	simm.s32 @p0 $0x1  }
0x13: {  	[smem:$0x3FB6] =	sst s0;
	s0 =	simm.s32 @!p1 $0x0  }
0x14: {  	s2 =	sld [smem:$0x3F9A];
	s0 =	simm.s32 @p1 $0x1  }
0x15: {  	[smem:$0x3FB7] =	sst s0;
	s0 =	simm.s32 @!p2 $0x0  }
0x16: {  	s3 =	sld [smem:$0x3FDB];
	s0 =	simm.s32 @p2 $0x1  }
0x17: {  	s4 =	simm.s32 $0x1BF5;
	[smem:$0x3FB9] =	sst s0  }
0x18: {  	s0 =	sld [smem:$0x3F9C];
	_ =	swait.ge [sflag:s4], $0x0  }
0x19: {  	s7 =	sld [smem:$0x3F9D]  }
0x1a: {  	s8 =	sadd.s32 $0xFFFFE003, lr  }
0x1b: {  	s9 =	sadd.s32 $0xFFFFFEF7, lr;
	s5 =	simm.s32 $0xFFFFFFFF;
	p2 =	slt.u32 s8, $0xFFFFF086  }
0x1c: {  	p1 =	slt.u32 s9, $0xF7A;
	s5 =	simm.s32 @!p2 $0x0  }
0x1d: {  	s5 =	simm.s32 @p1 $0x1;
	p0 =	seq.s32 s7, s2  }
0x1e: {  	s7 =	smul.u32 @!p0 $0xF7A, s2;
	p2 =	seq.s32 @!p0 s5, $0x0  }
0x1f: {  	s9 =	smul.u32 $0xF7A, s1;
	s8 =	simm.s32 @!p0 $0x1BF5;
	p2 =	por !p2, p0  }
0x20: {  	[sflag:s8] =	ssyncset.s32 @!p0 $0xFFFFF086;
	s6 =	sadd.s32 @!p0 s3, s7;
	s7 =	simm.s32 @!p0 $0x108  }
0x21: {  	s3 =	sadd.s32 s3, s9;
	s6 =	sadd.s32 @!p0 $0x88, s6;
	s7 =	simm.s32 @p2 $0x1082  }
0x22: {  	[simem:s7], [sflag:s8] =	dma.local @!p0 [hbm:s6], $0xF7A  }
0x23: {  	s9 =	sor.u32 $0xD0000000, s2;
	s6 =	simm.s32 $0x108;
	_ =	swait.ge @!p0 [sflag:s8], $0x0  }
0x24: {  	s3 =	sadd.s32 $0x88, s3;
	s6 =	simm.s32 @!p1 $0x1082;
	[sflag:s4] =	ssyncset.s32 $0xFFFFF086  }
0x25: {  	[simem:s6], [sflag:s4] =	dma.local [hbm:s3], $0xF7A  }
0x26: {  	[smem:$0x3F9D] =	sst s1;
	(tag) =	ssettag s2;
	_ =	strace s9  }
0x27: {  	s1 =	sld [smem:$0x3FAD]  }
0x28: {  	s2 =	sld [smem:$0x3FAE]  }
0x29: {  	s4 =	sld [smem:$0x3FB0]  }
0x2a: {  	p0 =	seq.s32 s5, $0x0;
	s5 =	sld [smem:$0x3FB1]  }
0x2b: {  	s6 =	sld [smem:$0x3FB2]  }
0x2c: {  	s7 =	sld [smem:$0x3FB3]  }
0x2d: {  	s3 =	simm.s32 $0x108;
	s8 =	sld [smem:$0x3FB4]  }
0x2e: {  	s3 =	simm.s32 @!p0 $0x1082;
	s9 =	sld [smem:$0x3FB5]  }
0x2f: {  	lr =	sadd.s32 s0, s3;
	s0 =	sld [smem:$0x3FAC]  }
0x30: {  	s3 =	sld [smem:$0x3FAF]  }
0x31: {  	[smem:$0x3FB8] =	sst s10  }
0x32: {  	s10 =	sld [smem:$0x3FB6];
	_ =	sdelay $0x3  }
0x33: {  	p0 =	seq.s32 s10, $0x1;
	s10 =	sld [smem:$0x3FB8];
	_ =	sdelay $0x3  }
0x34: {  	[smem:$0x3FB8] =	sst s10  }
0x35: {  	s10 =	sld [smem:$0x3FB7];
	_ =	sdelay $0x3  }
0x36: {  	p1 =	seq.s32 s10, $0x1;
	s10 =	sld [smem:$0x3FB8];
	_ =	sdelay $0x3  }
0x37: {  	[smem:$0x3FB8] =	sst s10  }
0x38: {  	s10 =	sld [smem:$0x3FB9]  }
0x39: {  	_ = 	snop;
	(pc) =	sbr.ind lr, $3  }
0x3a: {  	_ = 	snop  }
0x3b: {  	_ = 	snop  }
0x3c: {  	p2 =	seq.s32 s10, $0x1;
	s10 =	sld [smem:$0x3FB8]  }
0x3d: {  	_ =	shalt  }
0x3e: {  	_ =	shalt  }
0x3f: {  	_ =	shalt  }
0x40: {  	_ =	shalt  }
0x41: {  	_ =	shalt  }
0x42: {  	_ =	shalt  }
0x43: {  	_ =	shalt  }
0x44: {  	_ =	shalt  }
0x45: {  	_ =	shalt  }
0x46: {  	_ =	shalt  }
0x47: {  	_ =	shalt  }
0x48: {  	_ =	shalt  }
0x49: {  	_ =	shalt  }
0x4a: {  	_ =	shalt  }
0x4b: {  	_ =	shalt  }
0x4c: {  	_ =	shalt  }
0x4d: {  	_ =	shalt  }
0x4e: {  	_ =	shalt  }
0x4f: {  	_ =	shalt  }
0x50: {  	_ =	shalt  }
0x51: {  	_ =	shalt  }
0x52: {  	_ =	shalt  }
0x53: {  	_ =	shalt  }
0x54: {  	_ =	shalt  }
0x55: {  	_ =	shalt  }
0x56: {  	_ =	shalt  }
0x57: {  	_ =	shalt  }
0x58: {  	_ =	shalt  }
0x59: {  	_ =	shalt  }
0x5a: {  	_ =	shalt  }
0x5b: {  	_ =	shalt  }
0x5c: {  	_ =	shalt  }
0x5d: {  	_ =	shalt  }
0x5e: {  	_ =	shalt  }
0x5f: {  	_ =	shalt  }
0x60: {  	_ =	shalt  }
0x61: {  	_ =	shalt  }
0x62: {  	_ =	shalt  }
0x63: {  	_ =	shalt  }
0x64: {  	_ =	shalt  }
0x65: {  	_ =	shalt  }
0x66: {  	_ =	shalt  }
0x67: {  	_ =	shalt  }
0x68: {  	_ =	shalt  }
0x69: {  	_ =	shalt  }
0x6a: {  	_ =	shalt  }
0x6b: {  	_ =	shalt  }
0x6c: {  	_ =	shalt  }
0x6d: {  	_ =	shalt  }
0x6e: {  	_ =	shalt  }
0x6f: {  	_ =	shalt  }
0x70: {  	_ =	shalt  }
0x71: {  	_ =	shalt  }
0x72: {  	_ =	shalt  }
0x73: {  	_ =	shalt  }
0x74: {  	_ =	shalt  }
0x75: {  	_ =	shalt  }
0x76: {  	_ =	shalt  }
0x77: {  	_ =	shalt  }
0x78: {  	_ =	shalt  }
0x79: {  	_ =	shalt  }
0x7a: {  	_ =	shalt  }
0x7b: {  	_ =	shalt  }
0x7c: {  	_ =	shalt  }
0x7d: {  	_ =	shalt  }
0x7e: {  	_ =	shalt  }
0x7f: {  	_ =	shalt  }
0x80: {  	_ =	shalt  }
0x81: {  	_ =	shalt  }
0x82: {  	_ =	shalt  }
0x83: {  	_ =	shalt  }
0x84: {  	_ =	shalt  }
0x85: {  	_ =	shalt  }
0x86: {  	_ =	shalt  }
0x87: {  	_ =	shalt  }
.Lfunc_end0:
.L_simem_size_0:
called_computation_lowered:
.L_overlay_start_0:
0x88: {  	s2 =	sld [smem:$0x3FD9]  }
0x89: {  	s3 =	sld [smem:$0x3FFE];
	_ =	sdelay $0x1  }
0x8a: {  	s1 =	srdreg.scid  }
0x8b: {  	s0 =	sand.u32 $0x1, s1  }
0x8c: {  	s17 =	sshll.u32 s0, $0xA;
	s2 =	sadd.s32 s3, s2  }
0x8d: {  	s2 =	sadd.s32 s2, s17  }
0x8e: {  	[smem:$0x3FC4] =	sst s2  }
0x8f: {  	_ = 	snop  }
0x90: {  	s2 =	sld [smem:$0x3FD0];
	(tm) =	ssettm $0x1  }
0x91: {  	s18 =	sld [smem:$0x3FFB];
	_ =	sdelay $0x3  }
0x92: {  	_ =	strace s18  }
0x93: {  	s3 =	sld [smem:$0x3FFC];
	_ =	sdelay $0x3  }
0x94: {  	_ =	strace s3  }
0x95: {  	s3 =	sld [smem:$0x3FFD];
	_ =	sdelay $0x3  }
0x96: {  	_ =	strace s3  }
0x97: {  	_ =	strace $0x8FFFFFFF  }
0x98: {  	s19 =	sld [smem:$0x3FDB];
	_ =	sdelay $0x1  }
0x99: {  	s4 =	simm.s32 $_scs_section_size  }
0x9a: {  	s5 =	simm.s32 $_size__tile_overlayer_lowered;
	s6 =	simm.s32 $_tile_overlayer_lowered  }
0x9b: {  	s22 =	simm.s32 $0x1BFF;
	s21 =	sshll.u32 s6, $0x1;
	s3 =	sadd.s32 s4, s19  }
0x9c: {  	s7 =	simm.s32 $0x0;
	s20 =	sshll.u32 s5, $0x1;
	s5 =	sadd.s32 s21, s3  }
0x9d: {  	[timem:s7], [sflag:s22] =	dma.local [hbm:s5], s20  }
0x9e: {  	_ =	swait.ge [sflag:s22], s20  }
0x9f: {  	s4 =	ssub.s32 $0x0, s20;
	[sflag:s22] =	ssyncset.done $0x0  }
0xa0: {  	[sflag:s22] =	ssyncadd.s32 s4;
	_ =	sdelay $0x1  }
0xa1: {  	s23 =	simm.s32 $0x1B8B  }
0xa2: {  	_ =	swait.ge [sflag:s23], $0x1  }
0xa3: {  	[sflag:s23] =	ssyncset.done $0x0  }
0xa4: {  	s25 =	simm.s32 $0x1B8E;
	s24 =	sld [smem:$0x3FFE];
	[sflag:s23] =	ssyncadd.s32 $0xFFFFFFFF  }
0xa5: {  	s26 =	simm.s32 $execute0_lowered;
	[smem:$0x3FD2] =	sst s25  }
0xa6: {  	s5 =	sshll.u32 s26, $0x1;
	_ =	strace $0x80000046;
	[dreg:$0x1] =	wrdreg $0xFFFFFFFF  }
0xa7: {  	s28 =	simm.s32 $_size_execute0_lowered;
	s3 =	sadd.s32 s3, s5;
	[dreg:$0x0] =	wrdreg $0x0  }
0xa8: {  	s5 =	sshll.u32 s28, $0x1;
	[dreg:$0x2] =	wrdreg s3  }
0xa9: {  	[dreg:$0x3] =	wrdreg s5  }
0xaa: {  	[dreg:$0x4] =	wrdreg $0xC0  }
0xab: {  	_ =	task [dreg:s7], $0x5FFFF  }
0xac: {  	[dreg:$0x1] =	wrdreg $0xFFFFFFFF  }
0xad: {  	[dreg:$0x0] =	wrdreg $0x60  }
0xae: {  	[dreg:$0x2] =	wrdreg s2  }
0xaf: {  	[dreg:$0x3] =	wrdreg s24  }
0xb0: {  	[dreg:$0x4] =	wrdreg $0x9  }
0xb1: {  	_ =	task.clear_ibuf [dreg:s7], $0x5FFFF;
	_ =	strace $0x90000046  }
0xb2: {  	s29 =	simm.s32 $0x9;
	_ =	strace $0x80000048  }
0xb3: {  	_ =	swait.ge [sflag:s29], $0x1  }
0xb4: {  	[sflag:s29] =	ssyncadd.s32 $0xFFFFFFFF  }
0xb5: {  	_ =	strace $0x90000048  }
0xb6: {  	_ =	sfence  }
0xb7: {  	s30 =	sld [smem:$0x0];
	_ =	sdelay $0x2  }
0xb8: {  	s31 =	sshll.u32 s1, $0xD;
	s1 =	sshrl.u32 s1, $0x2  }
0xb9: {  	s3 =	sand.u32 $0x4000, s31;
	s1 =	sadd.s32 s1, s30  }
0xba: {  	s0 =	sor.u32 s3, s0;
	s1 =	sshll.u32 s1, $0x11  }
0xbb: {  	s0 =	sor.u32 s1, s0  }
0xbc: {  	s0 =	sadd.s32 $0x8F2B, s0  }
0xbd: {  	[sflag:s0] =	ssyncadd.remote.s32 $0x1  }
0xbe: {  	_ =	sfence.sel $0xFFFF  }
0xbf: {  	[dreg:$0x0] =	wrdreg $0xFFFFFFFF;
	(pc) =	sbr.abs _section_cstart, $3  }
0xc0: {  	[dreg:$0x1] =	wrdreg $0xFFFFFFFF  }
0xc1: {  	_ =	task.clear_ibuf [dreg:s7], $0x2FFFF;
	_ =	strace $0x9FFFFFFF  }
0xc2: {  	(tm) =	ssettm $0x7FFFFFFF  }
0xc3: {  	_ =	shalt  }
tec
execute0_lowered:
.L_overlay_start_1:
0x0: {  	(tag) =	ssettag $0x1  }
0x1: {  	s1 =	srdreg.scid;
	s3 =	rddreg [dreg:$0x0]  }
0x2: {  	s0 =	stileid.u32;
	s6 =	rddreg [dreg:$0x1];
	s2 =	simm.s32 $0x0  }
0x3: {  	s13 =	simm.s32 $0x14000;
	s14 =	simm.s32 $0x5000;
	s15 =	simm.s32 $0x100  }
0x4: {  	s16 =	simm.s32 $0x7800;
	s4 =	sand.u32 $0x1, s1;
	s1 =	rddreg [dreg:$0x2]  }
0x5: {  	s17 =	simm.s32 $0x0;
	s5 =	smul.u32 $0x500, s0;
	[smem:$0x7FF] =	sst s2  }
0x6: {  	s9 =	sshrl.u32 s0, $0x3;
	s11 =	sshll.u32 s0, $0x7;
	s12 =	smul.u32 $0x1400, s0  }
0x7: {  	s7 =	sshll.u32 s4, $0x7;
	_ =	strace $0x80000047;
	s8 =	smul.u32 $0x28000, s4  }
0x8: {  	s30 =	ssub.s32 $0x2, s4;
	s9 =	smul.u32 $0x14000, s9;
	s4 =	sshll.u32 s4, $0x4  }
0x9: {  	s11 =	sand.u32 $0x380, s11;
	s5 =	sor.u32 s7, s5;
	s10 =	sshrl.u32 s30, $0x1  }
0xa: {  	s4 =	sor.u32 s0, s4;
	s5 =	sshrl.u32 s5, $0x3;
	s9 =	sadd.s32 s8, s9  }
0xb: {  	s4 =	smul.u32 $0x500, s4;
	s8 =	sadd.s32 s12, s8;
	s10 =	ssub.s32 s30, s10  }
0xc: {  	s12 =	simm.s32 $0x1400;
	s29 =	sadd.s32 s5, s6;
	s6 =	sadd.s32 $0x1A00, s6  }
0xd: {  	s9 =	sor.u32 s11, s9;
	s8 =	sshrl.u32 s8, $0x3;
	s7 =	smax.u32 s10, $0x1  }
0xe: {  	s10 =	simm.s32 $0x80;
	s11 =	simm.s32 $0x400;
	s31 =	sshrl.u32 s9, $0x3  }
0xf: {  	s3 =	sadd.s32 s3, s4;
	s5 =	sadd.s32 s6, s8;
	s8 =	simm.s32 $0x1  }
0x10: {  	v0 =	vimm.f32 $0.0e+00;
	v1 =	vimm.f32 $1.000000000e+00;
	s9 =	simm.s32 $0x2800;
	s4 =	sadd.s32 s6, s31;
	s6 =	sadd.s32 $0xBA00, s29  }
.LBB2_1:
0x11: {  	[tilespmem:s2], [sflag:$0x1] =	stream.linear.gather [hbm4b:s3+s2], $0x2800, $0x38;
	[tilespmem:$0x7A80] =	vst v63  }
0x12: {  	_ =	swait.ge [sflag:s8], $0x2800  }
0x13: {  	[sflag:s8] =	ssyncset.done $0x0  }
0x14: {  	s18 =	simm.s32 $0x0;
	[sflag:s8] =	ssyncadd.s32 $0xFFFFD800  }
.LBB2_2:
0x15: {  	p0 =	sne.s32 s18, $0x9FC0  }
.Ltmp0:
0x16: {  	_ = 	snop;
	(pc) =	sbr.rel @p0 .LBB2_2-.Ltmp0, $3  }
0x17: {  	_ =	sdelay $0x1  }
0x18: {  	s19 =	sshra.s32 s18, $0x2  }
0x19: {  	s18 =	sadd.s32 $0x40, s18;
	[tilespmem:s19+$0x2800] =	vst v0  }
0x1a: {  	s19 =	simm.s32 $0x0;
	s18 =	simm.s32 $0x40  }
.LBB2_4:
0x1b: {  	p0 =	sne.s32 s18, $0x9FC0;
	v2 =	vld [tilespmem:s19+$0x0];
	_ =	sdelay $0x3  }
.Ltmp1:
0x1c: {  	(pc) =	sbr.rel @p0 .LBB2_4-.Ltmp1, $2  }
0x1d: {  	_ =	sdelay $0x2  }
0x1e: {  	s19 =	sshra.s32 s18, $0x2;
	s18 =	sadd.s32 $0x40, s18;
	[tilespmem:v2+s9+$0x0] =	vst.idx.add.f32.msk $0xffff, v1  }
0x1f: {  	v2 =	vld [tilespmem:s19+$0x0];
	_ =	sdelay $0x7  }
0x20: {  	[tilespmem:v2+s9+$0x0] =	vst.idx.add.f32.msk $0xffff, v1  }
0x21: {  	[hbm4b:s4+s10] =	stream.strided.scatter [tilespmem:s9], [sflag:$0x1], $0x2800, s11, s10, $0x38;
	[tilespmem:$0x7A80] =	vst v63  }
0x22: {  	_ =	swait.ge [sflag:s8], $0x2800  }
0x23: {  	[sflag:s8] =	ssyncset.done $0x0  }
0x24: {  	[sflag:s8] =	ssyncadd.s32 $0xFFFFD800  }
0x25: {  	[bflag:$0x0] =	sbarrier.arrive $0xFFFF  }
0x26: {  	[tilespmem:s14], [sflag:$0x1] =	stream.strided.gather [hbm4b:s5+s12], $0x2800, s13, s12, $0x38;
	[tilespmem:$0x7A80] =	vst v63  }
0x27: {  	s18 =	simm.s32 $0x0;
	_ =	swait.ge [sflag:s8], $0x2800  }
0x28: {  	s30 =	sand.u32 $0x70, s18;
	s18 =	sand.u32 $0x1C00, s18;
	[sflag:s8] =	ssyncset.done $0x0  }
0x29: {  	s18 =	sor.u32 s30, s18;
	[sflag:s8] =	ssyncadd.s32 $0xFFFFD800  }
0x2a: {  	v2 =	vld [tilespmem:s18+$0x5080]  }
0x2b: {  	v3 =	vld [tilespmem:s18+$0x5000];
	_ =	sdelay $0x1  }
0x2c: {  	v4 =	vld [tilespmem:s18+$0x5100];
	_ =	sdelay $0x1  }
0x2d: {  	v5 =	vld [tilespmem:s18+$0x5180]  }
0x2e: {  	v2 =	vadd.f32 v2, v3  }
0x2f: {  	v3 =	vld [tilespmem:s18+$0x5200]  }
0x30: {  	v2 =	vadd.f32 v4, v2  }
0x31: {  	v56 =	vld [tilespmem:s18+$0x5280]  }
0x32: {  	v2 =	vadd.f32 v5, v2  }
0x33: {  	v57 =	vld [tilespmem:s18+$0x5300]  }
0x34: {  	v2 =	vadd.f32 v3, v2  }
0x35: {  	v3 =	vld [tilespmem:s18+$0x5380]  }
0x36: {  	v2 =	vadd.f32 v56, v2  }
0x37: {  	v58 =	vld [tilespmem:s18+$0x6400]  }
0x38: {  	v2 =	vadd.f32 v57, v2  }
0x39: {  	v59 =	vld [tilespmem:s18+$0x6480]  }
0x3a: {  	v2 =	vadd.f32 v3, v2  }
0x3b: {  	v3 =	vld [tilespmem:s18+$0x6500]  }
0x3c: {  	v2 =	vadd.f32 v58, v2  }
0x3d: {  	v60 =	vld [tilespmem:s18+$0x6580]  }
0x3e: {  	v2 =	vadd.f32 v59, v2  }
0x3f: {  	v61 =	vld [tilespmem:s18+$0x6600]  }
0x40: {  	v2 =	vadd.f32 v3, v2  }
0x41: {  	v3 =	vld [tilespmem:s18+$0x6680]  }
0x42: {  	v2 =	vadd.f32 v60, v2  }
0x43: {  	v62 =	vld [tilespmem:s18+$0x6700]  }
0x44: {  	v2 =	vadd.f32 v61, v2  }
0x45: {  	v63 =	vld [tilespmem:s18+$0x6780]  }
0x46: {  	v2 =	vadd.f32 v3, v2;
	_ =	sdelay $0x1  }
0x47: {  	v2 =	vadd.f32 v62, v2;
	_ =	sdelay $0x1  }
0x48: {  	s31 =	simm.s32 $0x10;
	s20 =	simm.s32 $0x80;
	v2 =	vadd.f32 v63, v2  }
0x49: {  	s19 =	sand.u32 $0x70, s31;
	s21 =	sand.u32 $0x1C00, s20;
	s18 =	simm.s32 $0x7800  }
0x4a: {  	s19 =	sor.u32 s19, s21;
	s21 =	simm.s32 $0x20;
	[tilespmem:s18+$0x0] =	vst v2  }
.LBB2_6:
0x4b: {  	p0 =	sne.s32 s21, $0x270;
	v2 =	vld [tilespmem:s19+$0x5080]  }
0x4c: {  	v3 =	vld [tilespmem:s19+$0x5000];
	_ =	sdelay $0x1  }
0x4d: {  	v4 =	vld [tilespmem:s19+$0x5100];
	_ =	sdelay $0x1  }
0x4e: {  	v5 =	vld [tilespmem:s19+$0x5180]  }
0x4f: {  	v2 =	vadd.f32 v2, v3  }
0x50: {  	v3 =	vld [tilespmem:s19+$0x5200]  }
0x51: {  	v2 =	vadd.f32 v4, v2  }
0x52: {  	v4 =	vld [tilespmem:s19+$0x5280]  }
0x53: {  	v2 =	vadd.f32 v5, v2  }
0x54: {  	v5 =	vld [tilespmem:s19+$0x5300]  }
0x55: {  	v2 =	vadd.f32 v3, v2  }
0x56: {  	v3 =	vld [tilespmem:s19+$0x5380]  }
0x57: {  	v2 =	vadd.f32 v4, v2  }
0x58: {  	v4 =	vld [tilespmem:s19+$0x6400]  }
0x59: {  	v2 =	vadd.f32 v5, v2  }
0x5a: {  	v5 =	vld [tilespmem:s19+$0x6480]  }
0x5b: {  	v2 =	vadd.f32 v3, v2  }
0x5c: {  	v3 =	vld [tilespmem:s19+$0x6500]  }
0x5d: {  	v2 =	vadd.f32 v4, v2  }
0x5e: {  	v4 =	vld [tilespmem:s19+$0x6580]  }
0x5f: {  	v2 =	vadd.f32 v5, v2  }
0x60: {  	v5 =	vld [tilespmem:s19+$0x6600]  }
0x61: {  	v2 =	vadd.f32 v3, v2  }
0x62: {  	v3 =	vld [tilespmem:s19+$0x6680]  }
0x63: {  	v2 =	vadd.f32 v4, v2  }
0x64: {  	v4 =	vld [tilespmem:s19+$0x6700]  }
0x65: {  	v2 =	vadd.f32 v5, v2  }
0x66: {  	v5 =	vld [tilespmem:s19+$0x6780]  }
0x67: {  	v2 =	vadd.f32 v3, v2;
	_ =	sdelay $0x1  }
.Ltmp2:
0x68: {  	v2 =	vadd.f32 v4, v2;
	(pc) =	sbr.rel @p0 .LBB2_6-.Ltmp2, $4  }
0x69: {  	_ = 	snop  }
0x6a: {  	s20 =	sadd.s32 $0x80, s20;
	v2 =	vadd.f32 v5, v2  }
0x6b: {  	s18 =	sadd.s32 $0x10, s18;
	s22 =	sand.u32 $0x1C00, s20;
	s19 =	sand.u32 $0x70, s21  }
0x6c: {  	s21 =	sadd.s32 $0x10, s21;
	s19 =	sor.u32 s19, s22;
	[tilespmem:s18+$0x0] =	vst v2  }
0x6d: {  	v2 =	vld [tilespmem:s19+$0x5080]  }
0x6e: {  	v3 =	vld [tilespmem:s19+$0x5000];
	_ =	sdelay $0x1  }
0x6f: {  	v4 =	vld [tilespmem:s19+$0x5100];
	_ =	sdelay $0x1  }
0x70: {  	v5 =	vld [tilespmem:s19+$0x5180]  }
0x71: {  	v2 =	vadd.f32 v2, v3  }
0x72: {  	v3 =	vld [tilespmem:s19+$0x5200]  }
0x73: {  	v2 =	vadd.f32 v4, v2  }
0x74: {  	v56 =	vld [tilespmem:s19+$0x5280]  }
0x75: {  	v2 =	vadd.f32 v5, v2  }
0x76: {  	v57 =	vld [tilespmem:s19+$0x5300]  }
0x77: {  	v2 =	vadd.f32 v3, v2  }
0x78: {  	v3 =	vld [tilespmem:s19+$0x5380]  }
0x79: {  	v2 =	vadd.f32 v56, v2  }
0x7a: {  	v58 =	vld [tilespmem:s19+$0x6400]  }
0x7b: {  	v2 =	vadd.f32 v57, v2  }
0x7c: {  	v59 =	vld [tilespmem:s19+$0x6480]  }
0x7d: {  	v2 =	vadd.f32 v3, v2  }
0x7e: {  	v3 =	vld [tilespmem:s19+$0x6500]  }
0x7f: {  	v2 =	vadd.f32 v58, v2  }
0x80: {  	v60 =	vld [tilespmem:s19+$0x6580]  }
0x81: {  	v2 =	vadd.f32 v59, v2  }
0x82: {  	v61 =	vld [tilespmem:s19+$0x6600]  }
0x83: {  	v2 =	vadd.f32 v3, v2  }
0x84: {  	v3 =	vld [tilespmem:s19+$0x6680]  }
0x85: {  	v2 =	vadd.f32 v60, v2  }
0x86: {  	v62 =	vld [tilespmem:s19+$0x6700]  }
0x87: {  	v2 =	vadd.f32 v61, v2  }
0x88: {  	v63 =	vld [tilespmem:s19+$0x6780]  }
0x89: {  	v2 =	vadd.f32 v3, v2;
	_ =	sdelay $0x1  }
0x8a: {  	v2 =	vadd.f32 v62, v2;
	_ =	sdelay $0x1  }
0x8b: {  	s17 =	sadd.s32 $0x1, s17;
	v2 =	vadd.f32 v63, v2  }
0x8c: {  	s18 =	sadd.s32 $0x10, s18;
	p0 =	sne.s32 s17, s7  }
.Ltmp3:
0x8d: {  	[tilespmem:s18+$0x0] =	vst v2;
	(pc) =	sbr.rel @p0 .LBB2_1-.Ltmp3, $4  }
0x8e: {  	[hbm4b:s6+s10] =	stream.strided.scatter [tilespmem:s16], [sflag:$0x1], $0x280, s15, s10, $0x38;
	[tilespmem:$0x7A80] =	vst v63  }
0x8f: {  	_ =	swait.ge [sflag:s8], $0x280  }
0x90: {  	[sflag:s8] =	ssyncset.done $0x0  }
0x91: {  	[sflag:s8] =	ssyncadd.s32 $0xFFFFFD80  }
0x92: {  	_ =	sfence.sel $0x180000  }
0x93: {  	[bflag:$0x0] =	sbarrier.arrive $0xFFFF  }
0x94: {  	p0 =	sne.s32 s0, $0x0;
	_ =	strace $0x90000047  }
0x95: {  	s0 =	sadd.s32 @!p0 $0x100000, s1;
	[bflag:$0x2] =	sbarrier.arrive $0xFFFF  }
0x96: {  	[sflag:s0] =	ssyncadd.tile.s32 @!p0 $0x1;
	_ =	shalt  }
.Lfunc_end2:
_tile_overlayer_lowered:
.L_overlay_start_2:
0x97: {  	(tag) =	ssettag $0x2  }
0x98: {  	s0 =	rddreg [dreg:$0x0];
	s2 =	stileid.u32  }
0x99: {  	s1 =	rddreg [dreg:$0x1];
	p0 =	sne.s32 s2, $0x0  }
0x9a: {  	s3 =	rddreg [dreg:$0x2];
	[bflag:$0x3] =	sbarrier.arrive $0xFFFF;
	s2 =	simm.s32 @!p0 $0x1C01  }
0x9b: {  	[timem:s3], [sflag:s2] =	dma.local @!p0 [hbm:s0], s1  }
0x9c: {  	s0 =	simm.s32 @!p0 $0x1  }
0x9d: {  	_ =	swait.ge @!p0 [sflag:s0], s1  }
0x9e: {  	s1 =	ssub.s32 @!p0 $0x0, s1;
	[sflag:s0] =	ssyncset.done @!p0 $0x0  }
0x9f: {  	[sflag:s0] =	ssyncadd.s32 @!p0 s1  }
0xa0: {  	[bflag:$0x3] =	sbarrier.arrive $0xFFFF  }
0xa1: {  	_ =	shalt  }

// kernel: kernel.9.cloned.1.call-start
scs
__scs_entry_jumppad:
0x0: {  	(pc) =	sbr.rel $0x88, $3  }
0x1: {  	(tag) =	ssettag $0x0;
	lr =	simm.s32 $0x1  }
0x2: {  	[smem:$0x3F9D] =	sst lr;
	_ =	strace $0xD0000000  }
0x3: {  	_ = 	snop  }
0x4: {  	_ = 	snop  }
0x5: {  	_ = 	snop  }
0x6: {  	_ = 	snop  }
0x7: {  	_ = 	snop  }
__scs_overlays_trampoline_lowered:
0x8: {  	[smem:$0x3FAC] =	sst s0  }
0x9: {  	[smem:$0x3FAD] =	sst s1  }
0xa: {  	[smem:$0x3FAE] =	sst s2  }
0xb: {  	[smem:$0x3FAF] =	sst s3  }
0xc: {  	[smem:$0x3FB0] =	sst s4  }
0xd: {  	[smem:$0x3FB1] =	sst s5  }
0xe: {  	[smem:$0x3FB2] =	sst s6  }
0xf: {  	[smem:$0x3FB3] =	sst s7  }
0x10: {  	[smem:$0x3FB4] =	sst s8  }
0x11: {  	[smem:$0x3FB5] =	sst s9;
	s0 =	simm.s32 @!p0 $0x0  }
0x12: {  	s1 =	sld [smem:$0x3F9B];
	s0 =	simm.s32 @p0 $0x1  }
0x13: {  	[smem:$0x3FB6] =	sst s0;
	s0 =	simm.s32 @!p1 $0x0  }
0x14: {  	s2 =	sld [smem:$0x3F9A];
	s0 =	simm.s32 @p1 $0x1  }
0x15: {  	[smem:$0x3FB7] =	sst s0;
	s0 =	simm.s32 @!p2 $0x0  }
0x16: {  	s3 =	sld [smem:$0x3FDB];
	s0 =	simm.s32 @p2 $0x1  }
0x17: {  	s4 =	simm.s32 $0x1BF5;
	[smem:$0x3FB9] =	sst s0  }
0x18: {  	s0 =	sld [smem:$0x3F9C];
	_ =	swait.ge [sflag:s4], $0x0  }
0x19: {  	s7 =	sld [smem:$0x3F9D]  }
0x1a: {  	s8 =	sadd.s32 $0xFFFFE003, lr  }
0x1b: {  	s9 =	sadd.s32 $0xFFFFFEF7, lr;
	s5 =	simm.s32 $0xFFFFFFFF;
	p2 =	slt.u32 s8, $0xFFFFF086  }
0x1c: {  	p1 =	slt.u32 s9, $0xF7A;
	s5 =	simm.s32 @!p2 $0x0  }
0x1d: {  	s5 =	simm.s32 @p1 $0x1;
	p0 =	seq.s32 s7, s2  }
0x1e: {  	s7 =	smul.u32 @!p0 $0xF7A, s2;
	p2 =	seq.s32 @!p0 s5, $0x0  }
0x1f: {  	s9 =	smul.u32 $0xF7A, s1;
	s8 =	simm.s32 @!p0 $0x1BF5;
	p2 =	por !p2, p0  }
0x20: {  	[sflag:s8] =	ssyncset.s32 @!p0 $0xFFFFF086;
	s6 =	sadd.s32 @!p0 s3, s7;
	s7 =	simm.s32 @!p0 $0x108  }
0x21: {  	s3 =	sadd.s32 s3, s9;
	s6 =	sadd.s32 @!p0 $0x88, s6;
	s7 =	simm.s32 @p2 $0x1082  }
0x22: {  	[simem:s7], [sflag:s8] =	dma.local @!p0 [hbm:s6], $0xF7A  }
0x23: {  	s9 =	sor.u32 $0xD0000000, s2;
	s6 =	simm.s32 $0x108;
	_ =	swait.ge @!p0 [sflag:s8], $0x0  }
0x24: {  	s3 =	sadd.s32 $0x88, s3;
	s6 =	simm.s32 @!p1 $0x1082;
	[sflag:s4] =	ssyncset.s32 $0xFFFFF086  }
0x25: {  	[simem:s6], [sflag:s4] =	dma.local [hbm:s3], $0xF7A  }
0x26: {  	[smem:$0x3F9D] =	sst s1;
	(tag) =	ssettag s2;
	_ =	strace s9  }
0x27: {  	s1 =	sld [smem:$0x3FAD]  }
0x28: {  	s2 =	sld [smem:$0x3FAE]  }
0x29: {  	s4 =	sld [smem:$0x3FB0]  }
0x2a: {  	p0 =	seq.s32 s5, $0x0;
	s5 =	sld [smem:$0x3FB1]  }
0x2b: {  	s6 =	sld [smem:$0x3FB2]  }
0x2c: {  	s7 =	sld [smem:$0x3FB3]  }
0x2d: {  	s3 =	simm.s32 $0x108;
	s8 =	sld [smem:$0x3FB4]  }
0x2e: {  	s3 =	simm.s32 @!p0 $0x1082;
	s9 =	sld [smem:$0x3FB5]  }
0x2f: {  	lr =	sadd.s32 s0, s3;
	s0 =	sld [smem:$0x3FAC]  }
0x30: {  	s3 =	sld [smem:$0x3FAF]  }
0x31: {  	[smem:$0x3FB8] =	sst s10  }
0x32: {  	s10 =	sld [smem:$0x3FB6];
	_ =	sdelay $0x3  }
0x33: {  	p0 =	seq.s32 s10, $0x1;
	s10 =	sld [smem:$0x3FB8];
	_ =	sdelay $0x3  }
0x34: {  	[smem:$0x3FB8] =	sst s10  }
0x35: {  	s10 =	sld [smem:$0x3FB7];
	_ =	sdelay $0x3  }
0x36: {  	p1 =	seq.s32 s10, $0x1;
	s10 =	sld [smem:$0x3FB8];
	_ =	sdelay $0x3  }
0x37: {  	[smem:$0x3FB8] =	sst s10  }
0x38: {  	s10 =	sld [smem:$0x3FB9]  }
0x39: {  	_ = 	snop;
	(pc) =	sbr.ind lr, $3  }
0x3a: {  	_ = 	snop  }
0x3b: {  	_ = 	snop  }
0x3c: {  	p2 =	seq.s32 s10, $0x1;
	s10 =	sld [smem:$0x3FB8]  }
0x3d: {  	_ =	shalt  }
0x3e: {  	_ =	shalt  }
0x3f: {  	_ =	shalt  }
0x40: {  	_ =	shalt  }
0x41: {  	_ =	shalt  }
0x42: {  	_ =	shalt  }
0x43: {  	_ =	shalt  }
0x44: {  	_ =	shalt  }
0x45: {  	_ =	shalt  }
0x46: {  	_ =	shalt  }
0x47: {  	_ =	shalt  }
0x48: {  	_ =	shalt  }
0x49: {  	_ =	shalt  }
0x4a: {  	_ =	shalt  }
0x4b: {  	_ =	shalt  }
0x4c: {  	_ =	shalt  }
0x4d: {  	_ =	shalt  }
0x4e: {  	_ =	shalt  }
0x4f: {  	_ =	shalt  }
0x50: {  	_ =	shalt  }
0x51: {  	_ =	shalt  }
0x52: {  	_ =	shalt  }
0x53: {  	_ =	shalt  }
0x54: {  	_ =	shalt  }
0x55: {  	_ =	shalt  }
0x56: {  	_ =	shalt  }
0x57: {  	_ =	shalt  }
0x58: {  	_ =	shalt  }
0x59: {  	_ =	shalt  }
0x5a: {  	_ =	shalt  }
0x5b: {  	_ =	shalt  }
0x5c: {  	_ =	shalt  }
0x5d: {  	_ =	shalt  }
0x5e: {  	_ =	shalt  }
0x5f: {  	_ =	shalt  }
0x60: {  	_ =	shalt  }
0x61: {  	_ =	shalt  }
0x62: {  	_ =	shalt  }
0x63: {  	_ =	shalt  }
0x64: {  	_ =	shalt  }
0x65: {  	_ =	shalt  }
0x66: {  	_ =	shalt  }
0x67: {  	_ =	shalt  }
0x68: {  	_ =	shalt  }
0x69: {  	_ =	shalt  }
0x6a: {  	_ =	shalt  }
0x6b: {  	_ =	shalt  }
0x6c: {  	_ =	shalt  }
0x6d: {  	_ =	shalt  }
0x6e: {  	_ =	shalt  }
0x6f: {  	_ =	shalt  }
0x70: {  	_ =	shalt  }
0x71: {  	_ =	shalt  }
0x72: {  	_ =	shalt  }
0x73: {  	_ =	shalt  }
0x74: {  	_ =	shalt  }
0x75: {  	_ =	shalt  }
0x76: {  	_ =	shalt  }
0x77: {  	_ =	shalt  }
0x78: {  	_ =	shalt  }
0x79: {  	_ =	shalt  }
0x7a: {  	_ =	shalt  }
0x7b: {  	_ =	shalt  }
0x7c: {  	_ =	shalt  }
0x7d: {  	_ =	shalt  }
0x7e: {  	_ =	shalt  }
0x7f: {  	_ =	shalt  }
0x80: {  	_ =	shalt  }
0x81: {  	_ =	shalt  }
0x82: {  	_ =	shalt  }
0x83: {  	_ =	shalt  }
0x84: {  	_ =	shalt  }
0x85: {  	_ =	shalt  }
0x86: {  	_ =	shalt  }
0x87: {  	_ =	shalt  }
.Lfunc_end0:
.L_simem_size_0:
called_computation.1_lowered:
.L_overlay_start_0:
0x88: {  	s2 =	sld [smem:$0x3FD9]  }
0x89: {  	s3 =	sld [smem:$0x3FFE];
	_ =	sdelay $0x1  }
0x8a: {  	s1 =	srdreg.scid  }
0x8b: {  	s0 =	sand.u32 $0x1, s1  }
0x8c: {  	s16 =	sshll.u32 s0, $0xA;
	s2 =	sadd.s32 s3, s2  }
0x8d: {  	s2 =	sadd.s32 s2, s16  }
0x8e: {  	[smem:$0x3FC4] =	sst s2  }
0x8f: {  	_ = 	snop  }
0x90: {  	(tm) =	ssettm $0x1  }
0x91: {  	s17 =	sld [smem:$0x3FFB];
	_ =	sdelay $0x3  }
0x92: {  	_ =	strace s17  }
0x93: {  	s2 =	sld [smem:$0x3FFC];
	_ =	sdelay $0x3  }
0x94: {  	_ =	strace s2  }
0x95: {  	s2 =	sld [smem:$0x3FFD];
	_ =	sdelay $0x3  }
0x96: {  	_ =	strace s2  }
0x97: {  	_ =	strace $0x8FFFFFFF  }
0x98: {  	s18 =	sld [smem:$0x3FDB];
	_ =	sdelay $0x1  }
0x99: {  	s19 =	simm.s32 $_scs_section_size  }
0x9a: {  	s4 =	simm.s32 $_size__tile_overlayer_lowered;
	s5 =	simm.s32 $_tile_overlayer_lowered  }
0x9b: {  	s22 =	simm.s32 $0x1BFF;
	s21 =	sshll.u32 s5, $0x1;
	s2 =	sadd.s32 s19, s18  }
0x9c: {  	s6 =	simm.s32 $0x0;
	s20 =	sshll.u32 s4, $0x1;
	s4 =	sadd.s32 s21, s2  }
0x9d: {  	[timem:s6], [sflag:s22] =	dma.local [hbm:s4], s20  }
0x9e: {  	_ =	swait.ge [sflag:s22], s20  }
0x9f: {  	s3 =	ssub.s32 $0x0, s20;
	[sflag:s22] =	ssyncset.done $0x0  }
0xa0: {  	[sflag:s22] =	ssyncadd.s32 s3;
	_ =	sdelay $0x1  }
0xa1: {  	s23 =	simm.s32 $0x1B8B  }
0xa2: {  	_ =	swait.ge [sflag:s23], $0x1  }
0xa3: {  	[sflag:s23] =	ssyncset.done $0x0  }
0xa4: {  	s25 =	simm.s32 $0x1B8E;
	s24 =	sld [smem:$0x3FFE];
	[sflag:s23] =	ssyncadd.s32 $0xFFFFFFFF  }
0xa5: {  	s26 =	simm.s32 $execute0_lowered;
	[smem:$0x3FD2] =	sst s25  }
0xa6: {  	s4 =	sshll.u32 s26, $0x1;
	_ =	strace $0x80000049;
	[dreg:$0x1] =	wrdreg $0xFFFFFFFF  }
0xa7: {  	s28 =	simm.s32 $_size_execute0_lowered;
	s2 =	sadd.s32 s2, s4;
	[dreg:$0x0] =	wrdreg $0x0  }
0xa8: {  	s4 =	sshll.u32 s28, $0x1;
	[dreg:$0x2] =	wrdreg s2  }
0xa9: {  	[dreg:$0x3] =	wrdreg s4  }
0xaa: {  	[dreg:$0x4] =	wrdreg $0xC0  }
0xab: {  	_ =	task [dreg:s6], $0x5FFFF  }
0xac: {  	[dreg:$0x1] =	wrdreg $0xFFFFFFFF  }
0xad: {  	[dreg:$0x0] =	wrdreg $0x60  }
0xae: {  	[dreg:$0x2] =	wrdreg s24  }
0xaf: {  	[dreg:$0x3] =	wrdreg $0x90000  }
0xb0: {  	[dreg:$0x4] =	wrdreg $0x9  }
0xb1: {  	_ =	task.clear_ibuf [dreg:s6], $0x5FFFF;
	_ =	strace $0x90000049  }
0xb2: {  	s29 =	simm.s32 $0x9;
	_ =	strace $0x8000004B  }
0xb3: {  	_ =	swait.ge [sflag:s29], $0x1  }
0xb4: {  	[sflag:s29] =	ssyncadd.s32 $0xFFFFFFFF  }
0xb5: {  	_ =	strace $0x9000004B  }
0xb6: {  	_ =	sfence  }
0xb7: {  	s30 =	sld [smem:$0x0];
	_ =	sdelay $0x2  }
0xb8: {  	s31 =	sshll.u32 s1, $0xD;
	s1 =	sshrl.u32 s1, $0x2  }
0xb9: {  	s3 =	sand.u32 $0x4000, s31;
	s1 =	sadd.s32 s1, s30  }
0xba: {  	s0 =	sor.u32 s3, s0;
	s1 =	sshll.u32 s1, $0x11  }
0xbb: {  	s0 =	sor.u32 s1, s0  }
0xbc: {  	s0 =	sadd.s32 $0x8F2B, s0  }
0xbd: {  	[sflag:s0] =	ssyncadd.remote.s32 $0x1  }
0xbe: {  	_ =	sfence.sel $0xFFFF  }
0xbf: {  	[dreg:$0x0] =	wrdreg $0xFFFFFFFF;
	(pc) =	sbr.abs _section_cstart, $3  }
0xc0: {  	[dreg:$0x1] =	wrdreg $0xFFFFFFFF  }
0xc1: {  	_ =	task.clear_ibuf [dreg:s6], $0x2FFFF;
	_ =	strace $0x9FFFFFFF  }
0xc2: {  	(tm) =	ssettm $0x7FFFFFFF  }
0xc3: {  	_ =	shalt  }
tec
execute0_lowered:
.L_overlay_start_1:
0x0: {  	(tag) =	ssettag $0x1  }
0x1: {  	s0 =	rddreg [dreg:$0x0]  }
0x2: {  	s2 =	rddreg [dreg:$0x1];
	s11 =	stileid.u32;
	s3 =	simm.s32 $0x0  }
0x3: {  	s4 =	srdreg.scid;
	s28 =	simm.s32 $0x200;
	s1 =	smul.u32 $0x122, s11  }
0x4: {  	s29 =	simm.s32 $0x300;
	s30 =	simm.s32 $0x1;
	s5 =	smul.u32 $0x1E, s11  }
0x5: {  	s31 =	simm.s32 $0x40;
	[smem:$0x7FF] =	sst s3;
	s7 =	smul.u32 $0x14000, s11  }
0x6: {  	s6 =	sand.u32 $0x1, s4;
	s4 =	sadd.s32 $0x34400, s0;
	s10 =	smul.u32 $0x50000, s11  }
0x7: {  	s18 =	sshll.u32 s11, $0x6;
	p0 =	seq.s32 s6, $0x0;
	s8 =	smul.u32 $0x140000, s6  }
0x8: {  	_ =	strace $0x8000004A;
	s6 =	ssub.s32 $0x2, s6;
	s5 =	sadd.s32 $0x1220, s5  }
0x9: {  	s9 =	sshrl.u32 s6, $0x1;
	s17 =	sshrl.u32 s10, $0x2;
	s5 =	smov.u32 @p0 s1  }
0xa: {  	s16 =	sadd.s32 s7, s8;
	s7 =	sshrl.u32 s7, $0x3;
	s1 =	sshll.u32 s5, $0x5  }
0xb: {  	s6 =	ssub.s32 s6, s9;
	s7 =	sadd.s32 s4, s7;
	s1 =	sadd.s32 s1, s0  }
0xc: {  	s8 =	sshrl.u32 s16, $0x3;
	[dreg:$0x3] =	wrdreg s7;
	s19 =	sadd.s32 $0xC400, s1  }
0xd: {  	s5 =	simm.s32 $0x122;
	s20 =	sadd.s32 $0xC420, s1;
	[dreg:$0x4] =	wrdreg s19  }
0xe: {  	s0 =	sadd.s32 s8, s0;
	s21 =	sadd.s32 $0xC440, s1;
	[dreg:$0x5] =	wrdreg s20  }
0xf: {  	s5 =	simm.s32 @!p0 $0x1E;
	s22 =	sadd.s32 $0xC460, s1;
	[dreg:$0x6] =	wrdreg s21  }
0x10: {  	s8 =	sadd.s32 s17, s2;
	s23 =	sadd.s32 $0xC480, s1;
	[dreg:$0x7] =	wrdreg s22  }
0x11: {  	s7 =	sor.u32 $0x1C03, s18;
	s24 =	sadd.s32 $0xC4A0, s1;
	[dreg:$0x8] =	wrdreg s23  }
0x12: {  	s25 =	sadd.s32 $0xC4C0, s1;
	s26 =	sadd.s32 $0xC4E0, s1;
	[dreg:$0x9] =	wrdreg s24  }
0x13: {  	s16 =	sadd.s32 $0xC500, s1;
	s17 =	sadd.s32 $0xC520, s1;
	[dreg:$0xa] =	wrdreg s25  }
0x14: {  	s18 =	sadd.s32 $0xC540, s1;
	s11 =	sadd.s32 $0xC580, s1;
	[dreg:$0xb] =	wrdreg s26  }
0x15: {  	s19 =	sadd.s32 $0xC560, s1;
	s20 =	sadd.s32 $0x5C400, s0;
	s21 =	smax.u32 s6, $0x1  }
0x16: {  	s22 =	sshll.u32 s5, $0xF;
	s24 =	sshrl.u32 s8, $0x3;
	s25 =	simm.s32 $0x3  }
0x17: {  	s26 =	simm.s32 $0x100;
	s1 =	simm.s32 $0x2;
	s0 =	simm.s32 $0x0  }
.LBB2_1:
0x18: {  	s6 =	rddreg [dreg:$0x3]  }
0x19: {  	[spmem:s24], [sflag:s7] =	dma.local [hbm:s6], $0x2800  }
0x1a: {  	_ =	swait.ge [sflag:s25], $0x2800  }
0x1b: {  	[sflag:s25] =	ssyncset.done $0x0  }
0x1c: {  	[sflag:s25] =	ssyncadd.s32 $0xFFFFD800  }
0x1d: {  	[bflag:$0x0] =	sbarrier.arrive $0xFFFF  }
0x1e: {  	s12 =	rddreg [dreg:$0x4]  }
0x1f: {  	[tilespmem:s3], [sflag:$0x1] =	stream.linear.gather [hbm4b:s12+s3], $0x100, $0x38;
	[tilespmem:$0x1D000] =	vst v63  }
0x20: {  	s13 =	rddreg [dreg:$0x5]  }
0x21: {  	[tilespmem:s26], [sflag:$0x1] =	stream.linear.gather [hbm4b:s13+s3], $0x100, $0x38;
	[tilespmem:$0x1D000] =	vst v63  }
0x22: {  	s14 =	rddreg [dreg:$0x6]  }
0x23: {  	[tilespmem:s28], [sflag:$0x1] =	stream.linear.gather [hbm4b:s14+s3], $0x100, $0x38;
	[tilespmem:$0x1D000] =	vst v63  }
0x24: {  	s15 =	rddreg [dreg:$0x7]  }
0x25: {  	[tilespmem:s29], [sflag:$0x1] =	stream.linear.gather [hbm4b:s15+s3], $0x100, $0x38;
	[tilespmem:$0x1D000] =	vst v63  }
0x26: {  	s8 =	simm.s32 $0x400;
	s23 =	rddreg [dreg:$0x8]  }
0x27: {  	[tilespmem:s8], [sflag:$0x1] =	stream.linear.gather [hbm4b:s23+s3], $0x100, $0x38;
	[tilespmem:$0x1D000] =	vst v63  }
0x28: {  	s10 =	simm.s32 $0x500;
	s9 =	rddreg [dreg:$0x9]  }
0x29: {  	[tilespmem:s10], [sflag:$0x1] =	stream.linear.gather [hbm4b:s9+s3], $0x100, $0x38;
	[tilespmem:$0x1D000] =	vst v63  }
0x2a: {  	s12 =	rddreg [dreg:$0xa];
	s13 =	simm.s32 $0x600  }
0x2b: {  	[tilespmem:s13], [sflag:$0x1] =	stream.linear.gather [hbm4b:s12+s3], $0x100, $0x38;
	[tilespmem:$0x1D000] =	vst v63  }
0x2c: {  	s14 =	rddreg [dreg:$0xb];
	s15 =	simm.s32 $0x700  }
0x2d: {  	[tilespmem:s15], [sflag:$0x1] =	stream.linear.gather [hbm4b:s14+s3], $0x100, $0x38;
	[tilespmem:$0x1D000] =	vst v63  }
0x2e: {  	s23 =	simm.s32 $0x800  }
0x2f: {  	[tilespmem:s23], [sflag:$0x1] =	stream.linear.gather [hbm4b:s16+s3], $0x100, $0x38;
	[tilespmem:$0x1D000] =	vst v63  }
0x30: {  	s8 =	simm.s32 $0x900  }
0x31: {  	[tilespmem:s8], [sflag:$0x1] =	stream.linear.gather [hbm4b:s17+s3], $0x100, $0x38;
	[tilespmem:$0x1D000] =	vst v63  }
0x32: {  	s9 =	simm.s32 $0xA00  }
0x33: {  	[tilespmem:s9], [sflag:$0x1] =	stream.linear.gather [hbm4b:s18+s3], $0x100, $0x38;
	[tilespmem:$0x1D000] =	vst v63  }
0x34: {  	s10 =	simm.s32 $0xB00  }
0x35: {  	[tilespmem:s10], [sflag:$0x1] =	stream.linear.gather [hbm4b:s19+s3], $0x100, $0x38;
	[tilespmem:$0x1D000] =	vst v63  }
0x36: {  	_ =	swait.ge [sflag:s30], $0x100  }
0x37: {  	[sflag:s30] =	ssyncset.done $0x0  }
0x38: {  	s12 =	simm.s32 $0x1000;
	[sflag:s30] =	ssyncadd.s32 $0xFFFFFF00  }
0x39: {  	[tilespmem:s12], [sflag:$0x2] =	stream.indirect.gather [hbm4b:s4+s31], $0x80, s3, s31, $0xb8;
	[tilespmem:$0x1D000] =	vst v63  }
0x3a: {  	_ =	swait.ge [sflag:s30], $0x100  }
0x3b: {  	[sflag:s30] =	ssyncset.done $0x0  }
0x3c: {  	s9 =	simm.s32 $0x3000;
	[sflag:s30] =	ssyncadd.s32 $0xFFFFFF00  }
0x3d: {  	[tilespmem:s9], [sflag:$0x2] =	stream.indirect.gather [hbm4b:s4+s31], $0x80, s26, s31, $0xb8;
	[tilespmem:$0x1D000] =	vst v63  }
0x3e: {  	_ =	swait.ge [sflag:s30], $0x100  }
0x3f: {  	[sflag:s30] =	ssyncset.done $0x0  }
0x40: {  	s13 =	simm.s32 $0x5000;
	[sflag:s30] =	ssyncadd.s32 $0xFFFFFF00  }
0x41: {  	[tilespmem:s13], [sflag:$0x2] =	stream.indirect.gather [hbm4b:s4+s31], $0x80, s28, s31, $0xb8;
	[tilespmem:$0x1D000] =	vst v63  }
0x42: {  	_ =	swait.ge [sflag:s30], $0x100  }
0x43: {  	[sflag:s30] =	ssyncset.done $0x0  }
0x44: {  	s14 =	simm.s32 $0x7000;
	s15 =	simm.s32 $0x0;
	[sflag:s30] =	ssyncadd.s32 $0xFFFFFF00  }
0x45: {  	[tilespmem:s14], [sflag:$0x2] =	stream.indirect.gather [hbm4b:s4+s31], $0x80, s29, s31, $0xb8;
	[tilespmem:$0x1D000] =	vst v63  }
0x46: {  	s6 =	sand.u32 $0x3C00, s15;
	s23 =	sand.u32 $0x18000, s3;
	_ =	swait.ge [sflag:s1], $0x2000  }
0x47: {  	s6 =	sshrl.u32 s6, $0x2;
	s8 =	sshrl.u32 s23, $0x2;
	[sflag:s1] =	ssyncset.done $0x0  }
0x48: {  	s6 =	sor.u32 $0x80, s6;
	s8 =	sor.u32 $0x1000, s8;
	[sflag:s1] =	ssyncadd.s32 $0xFFFFE000  }
0x49: {  	[spmem:s2] =	stream.indirect.scatter.add.f32 [tilespmem:s8], [sflag:$0x3], $0x80, s6, s31, $0xb8;
	[tilespmem:$0x1D000] =	vst v63  }
0x4a: {  	_ =	swait.ge [sflag:s25], $0x2000  }
0x4b: {  	p0 =	sle.u32 s5, $0x4;
	[sflag:s25] =	ssyncset.done $0x0  }
0x4c: {  	s10 =	simm.s32 @!p0 $0x1;
	[sflag:s25] =	ssyncadd.s32 $0xFFFFE000  }
0x4d: {  	s12 =	simm.s32 @!p0 $0x1000;
	_ =	swait.ge @!p0 [sflag:s10], $0x100  }
0x4e: {  	s12 =	sand.u32 @!p0 $0x3C00, s12;
	[sflag:s10] =	ssyncset.done @!p0 $0x0  }
0x4f: {  	s12 =	sshrl.u32 @!p0 s12, $0x2;
	[sflag:s10] =	ssyncadd.s32 @!p0 $0xFFFFFF00;
	s10 =	simm.s32 @!p0 $0x40  }
0x50: {  	[tilespmem:s8], [sflag:$0x2] =	stream.indirect.gather @!p0 [hbm4b:s4+s10], $0x80, s12, s10, $0xb8;
	[tilespmem:$0x1D000] =	vst v63  }
0x51: {  	p0 =	sne.s32 s22, $0x8000  }
.Ltmp0:
0x52: {  	_ = 	snop;
	(pc) =	sbr.rel @!p0 .LBB2_3-.Ltmp0, $4  }
0x53: {  	_ = 	snop  }
0x54: {  	p1 =	sle.u32 s5, $0xC;
	s23 =	smov.u32 s11  }
0x55: {  	s13 =	sand.u32 @!p1 $0x3C00, s9;
	s9 =	simm.s32 $0x3400;
	s6 =	simm.s32 $0x8000  }
0x56: {  	s8 =	simm.s32 $0xD;
	s12 =	simm.s32 @!p1 $0x0;
	s10 =	smov.u32 s11  }
.LBB2_2:
0x57: {  	s13 =	sshrl.u32 @!p1 s13, $0x2;
	s23 =	sadd.s32 $0x20, s23  }
0x58: {  	s14 =	smov.u32 s6;
	s6 =	sadd.s32 $0x8000, s6;
	s15 =	smov.u32 s8  }
0x59: {  	[tilespmem:s13], [sflag:$0x1] =	stream.linear.gather @!p1 [hbm4b:s10+s12], $0x100, $0x38;
	[tilespmem:$0x1D000] =	vst v63  }
0x5a: {  	s12 =	sadd.s32 $0xFFFFD000, s9;
	p0 =	sne.s32 s22, s6;
	s10 =	smov.u32 s23  }
0x5b: {  	s13 =	sand.u32 $0x18000, s14;
	s12 =	sand.u32 $0x3C00, s12;
	_ =	swait.ge [sflag:s1], $0x2000  }
0x5c: {  	s13 =	sshrl.u32 s13, $0x2;
	s12 =	sshrl.u32 s12, $0x2;
	[sflag:s1] =	ssyncset.done $0x0  }
0x5d: {  	s13 =	sor.u32 $0x1000, s13;
	s12 =	sor.u32 $0x80, s12;
	[sflag:s1] =	ssyncadd.s32 $0xFFFFE000  }
0x5e: {  	[spmem:s2] =	stream.indirect.scatter.add.f32 [tilespmem:s13], [sflag:$0x3], $0x80, s12, s31, $0xb8;
	[tilespmem:$0x1D000] =	vst v63  }
0x5f: {  	s12 =	sadd.s32 $0xFFFFFFF8, s8;
	_ =	swait.ge [sflag:s25], $0x2000  }
0x60: {  	p2 =	sge.u32 s12, s5;
	[sflag:s25] =	ssyncset.done $0x0  }
0x61: {  	s12 =	simm.s32 @!p2 $0x1;
	s14 =	sadd.s32 @!p2 $0xFFFFE000, s9;
	[sflag:s25] =	ssyncadd.s32 $0xFFFFE000  }
.Ltmp1:
0x62: {  	s14 =	sand.u32 @!p2 $0x3C00, s14;
	_ =	swait.ge @!p2 [sflag:s12], $0x100;
	(pc) =	sbr.rel @p0 .LBB2_2-.Ltmp1, $4  }
0x63: {  	s8 =	sadd.s32 $0x1, s8;
	s14 =	sshrl.u32 @!p2 s14, $0x2;
	[sflag:s12] =	ssyncset.done @!p2 $0x0  }
0x64: {  	p1 =	sge.u32 s15, s5;
	[sflag:s12] =	ssyncadd.s32 @!p2 $0xFFFFFF00;
	s12 =	simm.s32 @!p2 $0x40  }
0x65: {  	[tilespmem:s13], [sflag:$0x2] =	stream.indirect.gather @!p2 [hbm4b:s4+s12], $0x80, s14, s12, $0xb8;
	[tilespmem:$0x1D000] =	vst v63  }
0x66: {  	s13 =	sand.u32 @!p1 $0x3C00, s9;
	s12 =	simm.s32 @!p1 $0x0;
	s9 =	sadd.s32 $0x400, s9  }
.LBB2_3:
0x67: {  	s6 =	sshrl.u32 @!p1 s13, $0x2;
	s0 =	sadd.s32 $0x1, s0  }
0x68: {  	[tilespmem:s6], [sflag:$0x1] =	stream.linear.gather @!p1 [hbm4b:s10+s12], $0x100, $0x38;
	[tilespmem:$0x1D000] =	vst v63  }
0x69: {  	p0 =	sne.s32 s0, s21  }
.Ltmp2:
0x6a: {  	[bflag:$0x0] =	sbarrier.arrive $0xFFFF;
	(pc) =	sbr.rel @p0 .LBB2_1-.Ltmp2, $4  }
0x6b: {  	[hbm:s20], [sflag:s7] =	dma.local [spmem:s24], $0x2800  }
0x6c: {  	_ =	swait.ge [sflag:s25], $0x2800  }
0x6d: {  	[sflag:s25] =	ssyncset.done $0x0  }
0x6e: {  	[sflag:s25] =	ssyncadd.s32 $0xFFFFD800  }
0x6f: {  	_ =	sfence.sel $0x180000  }
0x70: {  	[bflag:$0x0] =	sbarrier.arrive $0xFFFF  }
0x71: {  	_ =	strace $0x9000004A  }
0x72: {  	s0 =	stileid.u32;
	[bflag:$0x2] =	sbarrier.arrive $0xFFFF  }
0x73: {  	p0 =	sne.s32 s0, $0x0;
	s0 =	rddreg [dreg:$0x2]  }
0x74: {  	s0 =	sadd.s32 @!p0 $0x100000, s0  }
0x75: {  	[sflag:s0] =	ssyncadd.tile.s32 @!p0 $0x1;
	_ =	shalt  }
.Lfunc_end2:
_tile_overlayer_lowered:
.L_overlay_start_2:
0x76: {  	(tag) =	ssettag $0x2  }
0x77: {  	s0 =	rddreg [dreg:$0x0];
	s2 =	stileid.u32  }
0x78: {  	s1 =	rddreg [dreg:$0x1];
	p0 =	sne.s32 s2, $0x0  }
0x79: {  	s3 =	rddreg [dreg:$0x2];
	[bflag:$0x3] =	sbarrier.arrive $0xFFFF;
	s2 =	simm.s32 @!p0 $0x1C03  }
0x7a: {  	[timem:s3], [sflag:s2] =	dma.local @!p0 [hbm:s0], s1  }
0x7b: {  	s0 =	simm.s32 @!p0 $0x3  }
0x7c: {  	_ =	swait.ge @!p0 [sflag:s0], s1  }
0x7d: {  	s1 =	ssub.s32 @!p0 $0x0, s1;
	[sflag:s0] =	ssyncset.done @!p0 $0x0  }
0x7e: {  	[sflag:s0] =	ssyncadd.s32 @!p0 s1  }
0x7f: {  	[bflag:$0x3] =	sbarrier.arrive $0xFFFF  }
0x80: {  	_ =	shalt  }

</sc_bundles>
